<compile_context>
chip_gen: v7x
topology: tpu7x:2x2x1
jax: 0.10.2.dev20260603
libtpu: 0.0.44.dev20260713+nightly
codegen_flags: <defaults>
</compile_context>

<pallas_src>
import functools

import jax
import jax.numpy as jnp
from jax import lax
from jax.experimental import pallas as pl
from jax.experimental.pallas import tpu as pltpu
from jax.experimental.pallas import tpu_sc as plsc

S = 20
A = 24
D = 64
BT = 1024
NC, NS = 2, 16
NW = NC * NS
GR = 128
NBUF = 3
NU = S * A * (BT // GR)


def _make_sc_kernel():
    u_per_w = NU // NW
    mesh = plsc.VectorSubcoreMesh(core_axis_name="c", subcore_axis_name="s")

    @functools.partial(
        pl.kernel,
        out_type=jax.ShapeDtypeStruct((S, A, 8, BT // GR, 8, GR), jnp.float32),
        mesh=mesh,
        compiler_params=pltpu.CompilerParams(use_tc_tiling_on_sc=False,
                                             needs_layout_passes=False),
        scratch_types=[
            pltpu.VMEM((NU // NW, GR), jnp.int32),
            [pltpu.VMEM((GR, D), jnp.float32) for _ in range(NBUF)],
            [pltpu.VMEM((8, 8, GR + 1), jnp.float32) for _ in range(NBUF)],
            pltpu.VMEM((A, D), jnp.float32),
            [pltpu.SemaphoreType.DMA for _ in range(NBUF)],
            [pltpu.SemaphoreType.DMA for _ in range(NBUF)],
        ],
    )
    def body(xl_hbm, emb_hbm, pos_hbm, out_hbm,
             idx_v, g_bufs, o_bufs, pos_v, gsem, osem):
        wid = lax.axis_index("s") * NC + lax.axis_index("c")
        q0 = pl.multiple_of(wid * u_per_w, u_per_w)
        pltpu.sync_copy(pos_hbm.at[pl.ds(0, A)], pos_v)
        pltpu.sync_copy(xl_hbm.at[pl.ds(q0, u_per_w)], idx_v)

        lanes = lax.iota(jnp.int32, 16)
        iv = lanes & 7
        rvecs = [lax.shift_right_logical(lanes, 3) + dg * 2
                 for dg in range(D // 16)]

        def fire_gather(u, k):
            pltpu.async_copy(emb_hbm.at[idx_v.at[u]], g_bufs[k], gsem[k])

        def wait_gather(k):
            pltpu.make_async_copy(emb_hbm.at[pl.ds(0, GR)], g_bufs[k],
                                  gsem[k]).wait()

        def fire_out(u, k):
            q = q0 + u
            s = q // (A * (BT // GR))
            a = (q // (BT // GR)) % A
            c = q % (BT // GR)
            pltpu.async_copy(o_bufs[k].at[:, :, pl.ds(0, GR)],
                             out_hbm.at[s, a, :, c], osem[k])

        def wait_out(k):
            pltpu.make_async_copy(out_hbm.at[0, 0, :, 0],
                                  o_bufs[k].at[:, :, pl.ds(0, GR)],
                                  osem[k]).wait()

        def transpose_add(u, k):
            q = q0 + u
            a = (q // (BT // GR)) % A
            pvecs = [pos_v[a, pl.ds(dg * 16, 16)] for dg in range(D // 16)]

            def b_body(b, _, k=k, pvecs=pvecs):
                cvec = jnp.full((16,), b, jnp.int32)
                for dg in range(D // 16):
                    row = g_bufs[k][b, pl.ds(dg * 16, 16)] + pvecs[dg]
                    plsc.store_scatter(o_bufs[k], [rvecs[dg], iv, cvec], row)
                return 0

            lax.fori_loop(0, GR, b_body, 0, unroll=4)

        for k in range(NBUF - 1):
            fire_gather(k, k)

        def step_body(t, carry):
            for k in range(NBUF):
                u = t * NBUF + k
                @pl.when(u >= NBUF)
                def _(k=k):
                    wait_out(k)

                kn = (k + NBUF - 1) % NBUF

                @pl.when(u + NBUF - 1 < u_per_w)
                def _(u=u, kn=kn):
                    fire_gather(u + NBUF - 1, kn)

                wait_gather(k)
                transpose_add(u, k)
                fire_out(u, k)
            return carry

        lax.fori_loop(0, u_per_w // NBUF, step_body, 0)
        for k in range(NBUF):
            wait_out(k)

    return body


def kernel(x, action_emb, action_pos_emb):
    xl = jnp.transpose(x, (1, 2, 0)).reshape(NU, GR)
    out_t = _make_sc_kernel()(xl, action_emb, action_pos_emb)
    return jnp.transpose(out_t, (3, 5, 0, 1, 2, 4)).reshape(BT, S, A, D)

# --- scband reference (transcript-rebuilt; emitter-appended) ---
"""Pipeline reference for scband-action-tokenized-spread-embedding-60361470378580 (READ-ONLY COPY).

The authoritative reference and input builder live on the scoring server;
editing this copy changes nothing except your own understanding.
"""

import jax, jax.numpy as jnp
import numpy as np

TOKEN_SIZE = 100000
EMB_DIM = 64
MAX_NUM_ACTIONS = 100

def setup_inputs(seed: int = 0) -> dict:
    key = jax.random.key(seed)
    k1, k2, k3 = jax.random.split(key, 3)
    x = jax.random.randint(k1, (1024, 20, 24), 0, TOKEN_SIZE, dtype=jnp.int64 if jax.config.jax_enable_x64 else jnp.int32)
    action_emb = jax.random.normal(k2, (TOKEN_SIZE, EMB_DIM), dtype=jnp.float32) * 0.02
    action_pos_emb = jax.random.uniform(k3, (MAX_NUM_ACTIONS, EMB_DIM), dtype=jnp.float32)
    return {"x": x, "action_emb": action_emb, "action_pos_emb": action_pos_emb}

def reference(x, action_emb, action_pos_emb):
    # nn.Embedding lookup: [bs, seq_len, action_dim] -> [bs, seq_len, action_dim, emb_dim]
    out = jnp.take(action_emb, x, axis=0)
    # add positional embedding over the action token axis (x.shape[-2] of embedded tensor = action_dim)
    out = out + action_pos_emb[:out.shape[-2], :]
    return out

if __name__ == "__main__":
    import jax
    _d = setup_inputs()
    print(jax.jit(kernel)(*tuple(_d.values())))

</pallas_src>

<mosaic_0001>
#map = affine_map<(d0, d1) -> (0, 0)>
#map1 = affine_map<(d0, d1) -> (0, 0, 0, 0, 0, 0)>
module attributes {stable_mosaic.version = 14 : i64} {
  func.func @body(%arg0: i32, %arg1: i32, %arg2: memref<3840x128xi32, #tpu.memory_space<hbm>>, %arg3: memref<100000x64xf32, #tpu.memory_space<hbm>>, %arg4: memref<100x64xf32, #tpu.memory_space<hbm>>, %arg5: memref<20x24x8x8x8x128xf32, #tpu.memory_space<hbm>>, %arg6: memref<120x128xi32, #tpu.memory_space<vmem>>, %arg7: memref<128x64xf32, #tpu.memory_space<vmem>>, %arg8: memref<128x64xf32, #tpu.memory_space<vmem>>, %arg9: memref<128x64xf32, #tpu.memory_space<vmem>>, %arg10: memref<8x8x129xf32, #tpu.memory_space<vmem>>, %arg11: memref<8x8x129xf32, #tpu.memory_space<vmem>>, %arg12: memref<8x8x129xf32, #tpu.memory_space<vmem>>, %arg13: memref<24x64xf32, #tpu.memory_space<vmem>>, %arg14: memref<!tpu.dma_semaphore, #tpu.memory_space<semaphore_mem>>, %arg15: memref<!tpu.dma_semaphore, #tpu.memory_space<semaphore_mem>>, %arg16: memref<!tpu.dma_semaphore, #tpu.memory_space<semaphore_mem>>, %arg17: memref<!tpu.dma_semaphore, #tpu.memory_space<semaphore_mem>>, %arg18: memref<!tpu.dma_semaphore, #tpu.memory_space<semaphore_mem>>, %arg19: memref<!tpu.dma_semaphore, #tpu.memory_space<semaphore_mem>>) attributes {dimension_semantics = [#tpu.dimension_semantics<core_parallel>, #tpu.dimension_semantics<subcore_parallel>], iteration_bounds = array<i64: 2, 16>, scalar_prefetch = 0 : i64, scratch_operands = 14 : i64, tpu.core_type = #tpu.core_type<sc_vector_subcore>, window_params = [{transform_indices = #map}, {transform_indices = #map}, {transform_indices = #map}, {transform_indices = #map1}]} {
    %mul3A = arith.constant 2 : i32
    %mul3A_0 = arith.muli %arg1, %mul3A : i32
    %add3A = arith.addi %mul3A_0, %arg0 : i32
    %mul3A_1 = arith.constant 120 : i32
    %mul3A_2 = arith.muli %add3A, %mul3A_1 : i32
    %multiple_of3A = tpu.assume_multiple %mul3A_2, 120 : i32
    "tpu.region"() ({
      %run_scoped3A = tpu.sem_alloc : memref<!tpu.dma_semaphore, #tpu.memory_space<semaphore_mem>>
      %dma_start3A_108 = arith.constant 0 : i32
      %dma_start3A_109 = arith.constant 0 : i32
      %dma_start3A_110 = tpu.memref_slice %arg4[%dma_start3A_108, %dma_start3A_109] : memref<100x64xf32, #tpu.memory_space<hbm>> -> memref<24x64xf32, #tpu.memory_space<hbm>>
      %dma_start3A_111 = arith.constant 0 : i32
      %dma_start3A_112 = arith.constant 0 : i32
      %dma_start3A_113 = tpu.memref_slice %arg4[%dma_start3A_111, %dma_start3A_112] : memref<100x64xf32, #tpu.memory_space<hbm>> -> memref<24x64xf32, #tpu.memory_space<hbm>>
      tpu.enqueue_dma source(%dma_start3A_113 : memref<24x64xf32, #tpu.memory_space<hbm>>) target(%arg13 : memref<24x64xf32, #tpu.memory_space<vmem>>) target_semaphore(%run_scoped3A : memref<!tpu.dma_semaphore, #tpu.memory_space<semaphore_mem>>)
      %dma_wait3A_114 = arith.constant 0 : i32
      %dma_wait3A_115 = arith.constant 0 : i32
      %dma_wait3A_116 = tpu.memref_slice %arg4[%dma_wait3A_114, %dma_wait3A_115] : memref<100x64xf32, #tpu.memory_space<hbm>> -> memref<24x64xf32, #tpu.memory_space<hbm>>
      %dma_wait3A_117 = arith.constant 0 : i32
      %dma_wait3A_118 = arith.constant 0 : i32
      %dma_wait3A_119 = tpu.memref_slice %arg4[%dma_wait3A_117, %dma_wait3A_118] : memref<100x64xf32, #tpu.memory_space<hbm>> -> memref<24x64xf32, #tpu.memory_space<hbm>>
      tpu.wait_dma2 semaphore(%run_scoped3A : memref<!tpu.dma_semaphore, #tpu.memory_space<semaphore_mem>>) src(%dma_wait3A_119 : memref<24x64xf32, #tpu.memory_space<hbm>>) dst(%arg13 : memref<24x64xf32, #tpu.memory_space<vmem>>)
      tpu.yield
    }) : () -> ()
    "tpu.region"() ({
      %run_scoped3A = tpu.sem_alloc : memref<!tpu.dma_semaphore, #tpu.memory_space<semaphore_mem>>
      %dma_start3A_108 = arith.constant 0 : i32
      %dma_start3A_109 = tpu.memref_slice %arg2[%multiple_of3A, %dma_start3A_108] : memref<3840x128xi32, #tpu.memory_space<hbm>> -> memref<120x128xi32, #tpu.memory_space<hbm>>
      %dma_start3A_110 = arith.constant 0 : i32
      %dma_start3A_111 = tpu.memref_slice %arg2[%multiple_of3A, %dma_start3A_110] : memref<3840x128xi32, #tpu.memory_space<hbm>> -> memref<120x128xi32, #tpu.memory_space<hbm>>
      tpu.enqueue_dma source(%dma_start3A_111 : memref<120x128xi32, #tpu.memory_space<hbm>>) target(%arg6 : memref<120x128xi32, #tpu.memory_space<vmem>>) target_semaphore(%run_scoped3A : memref<!tpu.dma_semaphore, #tpu.memory_space<semaphore_mem>>)
      %dma_wait3A_112 = arith.constant 0 : i32
      %dma_wait3A_113 = tpu.memref_slice %arg2[%multiple_of3A, %dma_wait3A_112] : memref<3840x128xi32, #tpu.memory_space<hbm>> -> memref<120x128xi32, #tpu.memory_space<hbm>>
      %dma_wait3A_114 = arith.constant 0 : i32
      %dma_wait3A_115 = tpu.memref_slice %arg2[%multiple_of3A, %dma_wait3A_114] : memref<3840x128xi32, #tpu.memory_space<hbm>> -> memref<120x128xi32, #tpu.memory_space<hbm>>
      tpu.wait_dma2 semaphore(%run_scoped3A : memref<!tpu.dma_semaphore, #tpu.memory_space<semaphore_mem>>) src(%dma_wait3A_115 : memref<120x128xi32, #tpu.memory_space<hbm>>) dst(%arg6 : memref<120x128xi32, #tpu.memory_space<vmem>>)
      tpu.yield
    }) : () -> ()
    %iota3A = tpu.iota {dimensions = array<i32: 0>} : vector<16xi32>
    %and3A = arith.constant 7 : i32
    %and3A_3 = vector.broadcast %and3A : i32 to vector<16xi32>
    %and3A_4 = arith.andi %iota3A, %and3A_3 : vector<16xi32>
    %shift_right_logical3A = arith.constant 3 : i32
    %shift_right_logical3A_5 = vector.broadcast %shift_right_logical3A : i32 to vector<16xi32>
    %shift_right_logical3A_6 = arith.shrui %iota3A, %shift_right_logical3A_5 : vector<16xi32>
    %add3A_7 = arith.constant 0 : i32
    %add3A_8 = vector.broadcast %add3A_7 : i32 to vector<16xi32>
    %add3A_9 = arith.addi %shift_right_logical3A_6, %add3A_8 : vector<16xi32>
    %shift_right_logical3A_10 = arith.constant 3 : i32
    %shift_right_logical3A_11 = vector.broadcast %shift_right_logical3A_10 : i32 to vector<16xi32>
    %shift_right_logical3A_12 = arith.shrui %iota3A, %shift_right_logical3A_11 : vector<16xi32>
    %add3A_13 = arith.constant 2 : i32
    %add3A_14 = vector.broadcast %add3A_13 : i32 to vector<16xi32>
    %add3A_15 = arith.addi %shift_right_logical3A_12, %add3A_14 : vector<16xi32>
    %shift_right_logical3A_16 = arith.constant 3 : i32
    %shift_right_logical3A_17 = vector.broadcast %shift_right_logical3A_16 : i32 to vector<16xi32>
    %shift_right_logical3A_18 = arith.shrui %iota3A, %shift_right_logical3A_17 : vector<16xi32>
    %add3A_19 = arith.constant 4 : i32
    %add3A_20 = vector.broadcast %add3A_19 : i32 to vector<16xi32>
    %add3A_21 = arith.addi %shift_right_logical3A_18, %add3A_20 : vector<16xi32>
    %shift_right_logical3A_22 = arith.constant 3 : i32
    %shift_right_logical3A_23 = vector.broadcast %shift_right_logical3A_22 : i32 to vector<16xi32>
    %shift_right_logical3A_24 = arith.shrui %iota3A, %shift_right_logical3A_23 : vector<16xi32>
    %add3A_25 = arith.constant 6 : i32
    %add3A_26 = vector.broadcast %add3A_25 : i32 to vector<16xi32>
    %add3A_27 = arith.addi %shift_right_logical3A_24, %add3A_26 : vector<16xi32>
    %dma_start3A = arith.constant 0 : i32
    %dma_start3A_28 = arith.constant 0 : i32
    %dma_start3A_29 = tpu.memref_slice %arg6[%dma_start3A, %dma_start3A_28] : memref<120x128xi32, #tpu.memory_space<vmem>> -> memref<1x128xi32, #tpu.memory_space<vmem>>
    %dma_start3A_30 = tpu.memref_squeeze %dma_start3A_29 : memref<1x128xi32, #tpu.memory_space<vmem>> -> memref<128xi32, #tpu.memory_space<vmem>>
    %dma_start3A_31 = arith.constant 0 : i32
    %dma_start3A_32 = arith.constant 0 : i32
    %dma_start3A_33 = tpu.memref_slice %arg3[%dma_start3A_31, %dma_start3A_32] : memref<100000x64xf32, #tpu.memory_space<hbm>> -> memref<100000x64xf32, #tpu.memory_space<hbm>>
    tpu.enqueue_indirect_dma source(%dma_start3A_33 : memref<100000x64xf32, #tpu.memory_space<hbm>>) target(%arg7 : memref<128x64xf32, #tpu.memory_space<vmem>>) offsets(%dma_start3A_30 : memref<128xi32, #tpu.memory_space<vmem>>) semaphore(%arg14 : memref<!tpu.dma_semaphore, #tpu.memory_space<semaphore_mem>>)
    %dma_start3A_34 = arith.constant 1 : i32
    %dma_start3A_35 = arith.constant 0 : i32
    %dma_start3A_36 = tpu.memref_slice %arg6[%dma_start3A_34, %dma_start3A_35] : memref<120x128xi32, #tpu.memory_space<vmem>> -> memref<1x128xi32, #tpu.memory_space<vmem>>
    %dma_start3A_37 = tpu.memref_squeeze %dma_start3A_36 : memref<1x128xi32, #tpu.memory_space<vmem>> -> memref<128xi32, #tpu.memory_space<vmem>>
    %dma_start3A_38 = arith.constant 0 : i32
    %dma_start3A_39 = arith.constant 0 : i32
    %dma_start3A_40 = tpu.memref_slice %arg3[%dma_start3A_38, %dma_start3A_39] : memref<100000x64xf32, #tpu.memory_space<hbm>> -> memref<100000x64xf32, #tpu.memory_space<hbm>>
    tpu.enqueue_indirect_dma source(%dma_start3A_40 : memref<100000x64xf32, #tpu.memory_space<hbm>>) target(%arg8 : memref<128x64xf32, #tpu.memory_space<vmem>>) offsets(%dma_start3A_37 : memref<128xi32, #tpu.memory_space<vmem>>) semaphore(%arg15 : memref<!tpu.dma_semaphore, #tpu.memory_space<semaphore_mem>>)
    %scan3A = arith.constant 0 : i32
    %scan3A_41 = arith.constant 0 : i32
    %scan3A_42 = arith.constant 40 : i32
    %scan3A_43 = arith.addi %scan3A_41, %scan3A_42 : i32
    %scan3A_44 = arith.constant 1 : i32
    scf.for %scan3A_108 = %scan3A_41 to %scan3A_43 step %scan3A_44  : i32 {
      %mul3A_109 = arith.constant 3 : i32
      %mul3A_110 = arith.muli %scan3A_108, %mul3A_109 : i32
      %add3A_111 = arith.constant 0 : i32
      %add3A_112 = arith.addi %mul3A_110, %add3A_111 : i32
      %ge3A = arith.constant 3 : i32
      %ge3A_113 = arith.cmpi sge, %add3A_112, %ge3A : i32
      %convert_element_type3A = arith.extui %ge3A_113 : i1 to i32
      %cond3A = arith.constant 0 : i32
      %cond3A_114 = arith.cmpi ne, %convert_element_type3A, %cond3A : i32
      scf.if %cond3A_114 {
        %dma_wait3A_645 = arith.constant 0 : i32
        %dma_wait3A_646 = arith.constant 0 : i32
        %dma_wait3A_647 = arith.constant 0 : i32
        %dma_wait3A_648 = arith.constant 0 : i32
        %dma_wait3A_649 = arith.constant 0 : i32
        %dma_wait3A_650 = arith.constant 0 : i32
        %dma_wait3A_651 = tpu.memref_slice %arg10[%dma_wait3A_648, %dma_wait3A_649, %dma_wait3A_650] : memref<8x8x129xf32, #tpu.memory_space<vmem>> -> memref<8x8x128xf32, #tpu.memory_space<vmem>>
        %dma_wait3A_652 = arith.constant 0 : i32
        %dma_wait3A_653 = arith.constant 0 : i32
        %dma_wait3A_654 = arith.constant 0 : i32
        %dma_wait3A_655 = tpu.memref_slice %arg5[%dma_wait3A_645, %dma_wait3A_646, %dma_wait3A_652, %dma_wait3A_647, %dma_wait3A_653, %dma_wait3A_654] : memref<20x24x8x8x8x128xf32, #tpu.memory_space<hbm>> -> memref<1x1x8x1x8x128xf32, #tpu.memory_space<hbm>>
        %dma_wait3A_656 = tpu.memref_squeeze %dma_wait3A_655 : memref<1x1x8x1x8x128xf32, #tpu.memory_space<hbm>> -> memref<8x8x128xf32, #tpu.memory_space<hbm>>
        %dma_wait3A_657 = arith.constant 0 : i32
        %dma_wait3A_658 = arith.constant 0 : i32
        %dma_wait3A_659 = arith.constant 0 : i32
        %dma_wait3A_660 = tpu.memref_slice %arg10[%dma_wait3A_657, %dma_wait3A_658, %dma_wait3A_659] : memref<8x8x129xf32, #tpu.memory_space<vmem>> -> memref<8x8x128xf32, #tpu.memory_space<vmem>>
        %dma_wait3A_661 = arith.constant 0 : i32
        %dma_wait3A_662 = arith.constant 0 : i32
        %dma_wait3A_663 = arith.constant 0 : i32
        %dma_wait3A_664 = tpu.memref_slice %arg5[%dma_wait3A_645, %dma_wait3A_646, %dma_wait3A_661, %dma_wait3A_647, %dma_wait3A_662, %dma_wait3A_663] : memref<20x24x8x8x8x128xf32, #tpu.memory_space<hbm>> -> memref<1x1x8x1x8x128xf32, #tpu.memory_space<hbm>>
        %dma_wait3A_665 = tpu.memref_squeeze %dma_wait3A_664 : memref<1x1x8x1x8x128xf32, #tpu.memory_space<hbm>> -> memref<8x8x128xf32, #tpu.memory_space<hbm>>
        tpu.wait_dma2 semaphore(%arg17 : memref<!tpu.dma_semaphore, #tpu.memory_space<semaphore_mem>>) src(%dma_wait3A_665 : memref<8x8x128xf32, #tpu.memory_space<hbm>>) dst(%dma_wait3A_660 : memref<8x8x128xf32, #tpu.memory_space<vmem>>)
      } else {
      }
      %add3A_115 = arith.constant 3 : i32
      %add3A_116 = arith.addi %add3A_112, %add3A_115 : i32
      %sub3A = arith.constant 1 : i32
      %sub3A_117 = arith.subi %add3A_116, %sub3A : i32
      %lt3A = arith.constant 120 : i32
      %lt3A_118 = arith.cmpi slt, %sub3A_117, %lt3A : i32
      %convert_element_type3A_119 = arith.extui %lt3A_118 : i1 to i32
      %cond3A_120 = arith.constant 0 : i32
      %cond3A_121 = arith.cmpi ne, %convert_element_type3A_119, %cond3A_120 : i32
      scf.if %cond3A_121 {
        %add3A_645 = arith.constant 3 : i32
        %add3A_646 = arith.addi %add3A_112, %add3A_645 : i32
        %sub3A_647 = arith.constant 1 : i32
        %sub3A_648 = arith.subi %add3A_646, %sub3A_647 : i32
        %dma_start3A_649 = arith.constant 0 : i32
        %dma_start3A_650 = tpu.memref_slice %arg6[%sub3A_648, %dma_start3A_649] : memref<120x128xi32, #tpu.memory_space<vmem>> -> memref<1x128xi32, #tpu.memory_space<vmem>>
        %dma_start3A_651 = tpu.memref_squeeze %dma_start3A_650 : memref<1x128xi32, #tpu.memory_space<vmem>> -> memref<128xi32, #tpu.memory_space<vmem>>
        %dma_start3A_652 = arith.constant 0 : i32
        %dma_start3A_653 = arith.constant 0 : i32
        %dma_start3A_654 = tpu.memref_slice %arg3[%dma_start3A_652, %dma_start3A_653] : memref<100000x64xf32, #tpu.memory_space<hbm>> -> memref<100000x64xf32, #tpu.memory_space<hbm>>
        tpu.enqueue_indirect_dma source(%dma_start3A_654 : memref<100000x64xf32, #tpu.memory_space<hbm>>) target(%arg9 : memref<128x64xf32, #tpu.memory_space<vmem>>) offsets(%dma_start3A_651 : memref<128xi32, #tpu.memory_space<vmem>>) semaphore(%arg16 : memref<!tpu.dma_semaphore, #tpu.memory_space<semaphore_mem>>)
      } else {
      }
      %dma_wait3A_122 = arith.constant 0 : i32
      %dma_wait3A_123 = arith.constant 0 : i32
      %dma_wait3A_124 = tpu.memref_slice %arg3[%dma_wait3A_122, %dma_wait3A_123] : memref<100000x64xf32, #tpu.memory_space<hbm>> -> memref<128x64xf32, #tpu.memory_space<hbm>>
      %dma_wait3A_125 = arith.constant 0 : i32
      %dma_wait3A_126 = arith.constant 0 : i32
      %dma_wait3A_127 = tpu.memref_slice %arg3[%dma_wait3A_125, %dma_wait3A_126] : memref<100000x64xf32, #tpu.memory_space<hbm>> -> memref<128x64xf32, #tpu.memory_space<hbm>>
      tpu.wait_dma2 semaphore(%arg14 : memref<!tpu.dma_semaphore, #tpu.memory_space<semaphore_mem>>) src(%dma_wait3A_127 : memref<128x64xf32, #tpu.memory_space<hbm>>) dst(%arg7 : memref<128x64xf32, #tpu.memory_space<vmem>>)
      %add3A_128 = arith.addi %multiple_of3A, %add3A_112 : i32
      %jit3A = arith.constant 8 : i32
      %div3A = arith.divsi %add3A_128, %jit3A : i32
      %sign3A = arith.constant 0 : i32
      %sign3A_129 = arith.cmpi sgt, %add3A_128, %sign3A : i32
      %sign3A_130 = arith.extui %sign3A_129 : i1 to i32
      %sign3A_131 = arith.constant 0 : i32
      %sign3A_132 = arith.cmpi slt, %add3A_128, %sign3A_131 : i32
      %sign3A_133 = arith.extui %sign3A_132 : i1 to i32
      %sign3A_134 = arith.subi %sign3A_130, %sign3A_133 : i32
      %sign3A_135 = arith.constant 0 : i32
      %sign3A_136 = arith.cmpi sgt, %jit3A, %sign3A_135 : i32
      %sign3A_137 = arith.extui %sign3A_136 : i1 to i32
      %sign3A_138 = arith.constant 0 : i32
      %sign3A_139 = arith.cmpi slt, %jit3A, %sign3A_138 : i32
      %sign3A_140 = arith.extui %sign3A_139 : i1 to i32
      %sign3A_141 = arith.subi %sign3A_137, %sign3A_140 : i32
      %ne3A = arith.cmpi ne, %sign3A_134, %sign3A_141 : i32
      %rem3A = arith.remsi %add3A_128, %jit3A : i32
      %ne3A_142 = arith.constant 0 : i32
      %ne3A_143 = arith.cmpi ne, %rem3A, %ne3A_142 : i32
      %and3A_144 = arith.andi %ne3A, %ne3A_143 : i1
      %sub3A_145 = arith.constant 1 : i32
      %sub3A_146 = arith.subi %div3A, %sub3A_145 : i32
      %select_n3A = arith.select %and3A_144, %sub3A_146, %div3A : i32
      %jit3A_147 = arith.constant 24 : i32
      %eq3A = arith.constant 0 : i32
      %eq3A_148 = arith.cmpi eq, %jit3A_147, %eq3A : i32
      %jit3A_149 = arith.constant 1 : i32
      %select_n3A_150 = arith.select %eq3A_148, %jit3A_149, %jit3A_147 : i32
      %rem3A_151 = arith.remsi %select_n3A, %select_n3A_150 : i32
      %ne3A_152 = arith.constant 0 : i32
      %ne3A_153 = arith.cmpi ne, %rem3A_151, %ne3A_152 : i32
      %lt3A_154 = arith.constant 0 : i32
      %lt3A_155 = arith.cmpi slt, %rem3A_151, %lt3A_154 : i32
      %lt3A_156 = arith.constant 0 : i32
      %lt3A_157 = arith.cmpi slt, %select_n3A_150, %lt3A_156 : i32
      %ne3A_158 = arith.xori %lt3A_155, %lt3A_157 : i1
      %and3A_159 = arith.andi %ne3A_158, %ne3A_153 : i1
      %add3A_160 = arith.addi %rem3A_151, %select_n3A_150 : i32
      %select_n3A_161 = arith.select %and3A_159, %add3A_160, %rem3A_151 : i32
      %get3A = arith.index_cast %select_n3A_161 : i32 to index
      %get3A_162 = arith.constant 0 : index
      %get3A_163 = tpu.vector_load %arg13[%get3A, %get3A_162] {strides = array<i32>} : memref<24x64xf32, #tpu.memory_space<vmem>>, vector<16xf32>,
      %get3A_164 = arith.index_cast %select_n3A_161 : i32 to index
      %get3A_165 = arith.constant 16 : index
      %get3A_166 = tpu.vector_load %arg13[%get3A_164, %get3A_165] {strides = array<i32>} : memref<24x64xf32, #tpu.memory_space<vmem>>, vector<16xf32>,
      %get3A_167 = arith.index_cast %select_n3A_161 : i32 to index
      %get3A_168 = arith.constant 32 : index
      %get3A_169 = tpu.vector_load %arg13[%get3A_167, %get3A_168] {strides = array<i32>} : memref<24x64xf32, #tpu.memory_space<vmem>>, vector<16xf32>,
      %get3A_170 = arith.index_cast %select_n3A_161 : i32 to index
      %get3A_171 = arith.constant 48 : index
      %get3A_172 = tpu.vector_load %arg13[%get3A_170, %get3A_171] {strides = array<i32>} : memref<24x64xf32, #tpu.memory_space<vmem>>, vector<16xf32>,
      %scan3A_173 = arith.constant 0 : i32
      %scan3A_174 = arith.constant 0 : i32
      %scan3A_175 = arith.constant 128 : i32
      %scan3A_176 = arith.addi %scan3A_174, %scan3A_175 : i32
      %scan3A_177 = arith.constant 4 : i32
      %scan3A_178 = scf.for %scan3A_645 = %scan3A_174 to %scan3A_176 step %scan3A_177 iter_args(%scan3A_646 = %scan3A_173) -> (i32)  : i32 {
        %broadcast_in_dim3A = vector.broadcast %scan3A_645 : i32 to vector<16xi32>
        %get3A_647 = arith.index_cast %scan3A_645 : i32 to index
        %get3A_648 = arith.constant 0 : index
        %get3A_649 = tpu.vector_load %arg7[%get3A_647, %get3A_648] {strides = array<i32>} : memref<128x64xf32, #tpu.memory_space<vmem>>, vector<16xf32>,
        %add3A_650 = arith.addf %get3A_649, %get3A_163 : vector<16xf32>
        tpu.vector_store_idx %arg10[%add3A_9, %and3A_4, %broadcast_in_dim3A], %add3A_650 : memref<8x8x129xf32, #tpu.memory_space<vmem>>[vector<16xi32>, vector<16xi32>, vector<16xi32>], vector<16xf32>,
        %get3A_651 = arith.index_cast %scan3A_645 : i32 to index
        %get3A_652 = arith.constant 16 : index
        %get3A_653 = tpu.vector_load %arg7[%get3A_651, %get3A_652] {strides = array<i32>} : memref<128x64xf32, #tpu.memory_space<vmem>>, vector<16xf32>,
        %add3A_654 = arith.addf %get3A_653, %get3A_166 : vector<16xf32>
        tpu.vector_store_idx %arg10[%add3A_15, %and3A_4, %broadcast_in_dim3A], %add3A_654 : memref<8x8x129xf32, #tpu.memory_space<vmem>>[vector<16xi32>, vector<16xi32>, vector<16xi32>], vector<16xf32>,
        %get3A_655 = arith.index_cast %scan3A_645 : i32 to index
        %get3A_656 = arith.constant 32 : index
        %get3A_657 = tpu.vector_load %arg7[%get3A_655, %get3A_656] {strides = array<i32>} : memref<128x64xf32, #tpu.memory_space<vmem>>, vector<16xf32>,
        %add3A_658 = arith.addf %get3A_657, %get3A_169 : vector<16xf32>
        tpu.vector_store_idx %arg10[%add3A_21, %and3A_4, %broadcast_in_dim3A], %add3A_658 : memref<8x8x129xf32, #tpu.memory_space<vmem>>[vector<16xi32>, vector<16xi32>, vector<16xi32>], vector<16xf32>,
        %get3A_659 = arith.index_cast %scan3A_645 : i32 to index
        %get3A_660 = arith.constant 48 : index
        %get3A_661 = tpu.vector_load %arg7[%get3A_659, %get3A_660] {strides = array<i32>} : memref<128x64xf32, #tpu.memory_space<vmem>>, vector<16xf32>,
        %add3A_662 = arith.addf %get3A_661, %get3A_172 : vector<16xf32>
        tpu.vector_store_idx %arg10[%add3A_27, %and3A_4, %broadcast_in_dim3A], %add3A_662 : memref<8x8x129xf32, #tpu.memory_space<vmem>>[vector<16xi32>, vector<16xi32>, vector<16xi32>], vector<16xf32>,
        %scan3A_663 = arith.constant 0 : i32
        %scan3A_664 = arith.constant 1 : i32
        %scan3A_665 = arith.addi %scan3A_645, %scan3A_664 : i32
        %broadcast_in_dim3A_666 = vector.broadcast %scan3A_665 : i32 to vector<16xi32>
        %get3A_667 = arith.index_cast %scan3A_665 : i32 to index
        %get3A_668 = arith.constant 0 : index
        %get3A_669 = tpu.vector_load %arg7[%get3A_667, %get3A_668] {strides = array<i32>} : memref<128x64xf32, #tpu.memory_space<vmem>>, vector<16xf32>,
        %add3A_670 = arith.addf %get3A_669, %get3A_163 : vector<16xf32>
        tpu.vector_store_idx %arg10[%add3A_9, %and3A_4, %broadcast_in_dim3A_666], %add3A_670 : memref<8x8x129xf32, #tpu.memory_space<vmem>>[vector<16xi32>, vector<16xi32>, vector<16xi32>], vector<16xf32>,
        %get3A_671 = arith.index_cast %scan3A_665 : i32 to index
        %get3A_672 = arith.constant 16 : index
        %get3A_673 = tpu.vector_load %arg7[%get3A_671, %get3A_672] {strides = array<i32>} : memref<128x64xf32, #tpu.memory_space<vmem>>, vector<16xf32>,
        %add3A_674 = arith.addf %get3A_673, %get3A_166 : vector<16xf32>
        tpu.vector_store_idx %arg10[%add3A_15, %and3A_4, %broadcast_in_dim3A_666], %add3A_674 : memref<8x8x129xf32, #tpu.memory_space<vmem>>[vector<16xi32>, vector<16xi32>, vector<16xi32>], vector<16xf32>,
        %get3A_675 = arith.index_cast %scan3A_665 : i32 to index
        %get3A_676 = arith.constant 32 : index
        %get3A_677 = tpu.vector_load %arg7[%get3A_675, %get3A_676] {strides = array<i32>} : memref<128x64xf32, #tpu.memory_space<vmem>>, vector<16xf32>,
        %add3A_678 = arith.addf %get3A_677, %get3A_169 : vector<16xf32>
        tpu.vector_store_idx %arg10[%add3A_21, %and3A_4, %broadcast_in_dim3A_666], %add3A_678 : memref<8x8x129xf32, #tpu.memory_space<vmem>>[vector<16xi32>, vector<16xi32>, vector<16xi32>], vector<16xf32>,
        %get3A_679 = arith.index_cast %scan3A_665 : i32 to index
        %get3A_680 = arith.constant 48 : index
        %get3A_681 = tpu.vector_load %arg7[%get3A_679, %get3A_680] {strides = array<i32>} : memref<128x64xf32, #tpu.memory_space<vmem>>, vector<16xf32>,
        %add3A_682 = arith.addf %get3A_681, %get3A_172 : vector<16xf32>
        tpu.vector_store_idx %arg10[%add3A_27, %and3A_4, %broadcast_in_dim3A_666], %add3A_682 : memref<8x8x129xf32, #tpu.memory_space<vmem>>[vector<16xi32>, vector<16xi32>, vector<16xi32>], vector<16xf32>,
        %scan3A_683 = arith.constant 0 : i32
        %scan3A_684 = arith.constant 2 : i32
        %scan3A_685 = arith.addi %scan3A_645, %scan3A_684 : i32
        %broadcast_in_dim3A_686 = vector.broadcast %scan3A_685 : i32 to vector<16xi32>
        %get3A_687 = arith.index_cast %scan3A_685 : i32 to index
        %get3A_688 = arith.constant 0 : index
        %get3A_689 = tpu.vector_load %arg7[%get3A_687, %get3A_688] {strides = array<i32>} : memref<128x64xf32, #tpu.memory_space<vmem>>, vector<16xf32>,
        %add3A_690 = arith.addf %get3A_689, %get3A_163 : vector<16xf32>
        tpu.vector_store_idx %arg10[%add3A_9, %and3A_4, %broadcast_in_dim3A_686], %add3A_690 : memref<8x8x129xf32, #tpu.memory_space<vmem>>[vector<16xi32>, vector<16xi32>, vector<16xi32>], vector<16xf32>,
        %get3A_691 = arith.index_cast %scan3A_685 : i32 to index
        %get3A_692 = arith.constant 16 : index
        %get3A_693 = tpu.vector_load %arg7[%get3A_691, %get3A_692] {strides = array<i32>} : memref<128x64xf32, #tpu.memory_space<vmem>>, vector<16xf32>,
        %add3A_694 = arith.addf %get3A_693, %get3A_166 : vector<16xf32>
        tpu.vector_store_idx %arg10[%add3A_15, %and3A_4, %broadcast_in_dim3A_686], %add3A_694 : memref<8x8x129xf32, #tpu.memory_space<vmem>>[vector<16xi32>, vector<16xi32>, vector<16xi32>], vector<16xf32>,
        %get3A_695 = arith.index_cast %scan3A_685 : i32 to index
        %get3A_696 = arith.constant 32 : index
        %get3A_697 = tpu.vector_load %arg7[%get3A_695, %get3A_696] {strides = array<i32>} : memref<128x64xf32, #tpu.memory_space<vmem>>, vector<16xf32>,
        %add3A_698 = arith.addf %get3A_697, %get3A_169 : vector<16xf32>
        tpu.vector_store_idx %arg10[%add3A_21, %and3A_4, %broadcast_in_dim3A_686], %add3A_698 : memref<8x8x129xf32, #tpu.memory_space<vmem>>[vector<16xi32>, vector<16xi32>, vector<16xi32>], vector<16xf32>,
        %get3A_699 = arith.index_cast %scan3A_685 : i32 to index
        %get3A_700 = arith.constant 48 : index
        %get3A_701 = tpu.vector_load %arg7[%get3A_699, %get3A_700] {strides = array<i32>} : memref<128x64xf32, #tpu.memory_space<vmem>>, vector<16xf32>,
        %add3A_702 = arith.addf %get3A_701, %get3A_172 : vector<16xf32>
        tpu.vector_store_idx %arg10[%add3A_27, %and3A_4, %broadcast_in_dim3A_686], %add3A_702 : memref<8x8x129xf32, #tpu.memory_space<vmem>>[vector<16xi32>, vector<16xi32>, vector<16xi32>], vector<16xf32>,
        %scan3A_703 = arith.constant 0 : i32
        %scan3A_704 = arith.constant 3 : i32
        %scan3A_705 = arith.addi %scan3A_645, %scan3A_704 : i32
        %broadcast_in_dim3A_706 = vector.broadcast %scan3A_705 : i32 to vector<16xi32>
        %get3A_707 = arith.index_cast %scan3A_705 : i32 to index
        %get3A_708 = arith.constant 0 : index
        %get3A_709 = tpu.vector_load %arg7[%get3A_707, %get3A_708] {strides = array<i32>} : memref<128x64xf32, #tpu.memory_space<vmem>>, vector<16xf32>,
        %add3A_710 = arith.addf %get3A_709, %get3A_163 : vector<16xf32>
        tpu.vector_store_idx %arg10[%add3A_9, %and3A_4, %broadcast_in_dim3A_706], %add3A_710 : memref<8x8x129xf32, #tpu.memory_space<vmem>>[vector<16xi32>, vector<16xi32>, vector<16xi32>], vector<16xf32>,
        %get3A_711 = arith.index_cast %scan3A_705 : i32 to index
        %get3A_712 = arith.constant 16 : index
        %get3A_713 = tpu.vector_load %arg7[%get3A_711, %get3A_712] {strides = array<i32>} : memref<128x64xf32, #tpu.memory_space<vmem>>, vector<16xf32>,
        %add3A_714 = arith.addf %get3A_713, %get3A_166 : vector<16xf32>
        tpu.vector_store_idx %arg10[%add3A_15, %and3A_4, %broadcast_in_dim3A_706], %add3A_714 : memref<8x8x129xf32, #tpu.memory_space<vmem>>[vector<16xi32>, vector<16xi32>, vector<16xi32>], vector<16xf32>,
        %get3A_715 = arith.index_cast %scan3A_705 : i32 to index
        %get3A_716 = arith.constant 32 : index
        %get3A_717 = tpu.vector_load %arg7[%get3A_715, %get3A_716] {strides = array<i32>} : memref<128x64xf32, #tpu.memory_space<vmem>>, vector<16xf32>,
        %add3A_718 = arith.addf %get3A_717, %get3A_169 : vector<16xf32>
        tpu.vector_store_idx %arg10[%add3A_21, %and3A_4, %broadcast_in_dim3A_706], %add3A_718 : memref<8x8x129xf32, #tpu.memory_space<vmem>>[vector<16xi32>, vector<16xi32>, vector<16xi32>], vector<16xf32>,
        %get3A_719 = arith.index_cast %scan3A_705 : i32 to index
        %get3A_720 = arith.constant 48 : index
        %get3A_721 = tpu.vector_load %arg7[%get3A_719, %get3A_720] {strides = array<i32>} : memref<128x64xf32, #tpu.memory_space<vmem>>, vector<16xf32>,
        %add3A_722 = arith.addf %get3A_721, %get3A_172 : vector<16xf32>
        tpu.vector_store_idx %arg10[%add3A_27, %and3A_4, %broadcast_in_dim3A_706], %add3A_722 : memref<8x8x129xf32, #tpu.memory_space<vmem>>[vector<16xi32>, vector<16xi32>, vector<16xi32>], vector<16xf32>,
        %scan3A_723 = arith.constant 0 : i32
        scf.yield %scan3A_723 : i32
      }
      %scan3A_179 = arith.constant 128 : i32
      %add3A_180 = arith.addi %multiple_of3A, %add3A_112 : i32
      %jit3A_181 = arith.constant 192 : i32
      %div3A_182 = arith.divsi %add3A_180, %jit3A_181 : i32
      %sign3A_183 = arith.constant 0 : i32
      %sign3A_184 = arith.cmpi sgt, %add3A_180, %sign3A_183 : i32
      %sign3A_185 = arith.extui %sign3A_184 : i1 to i32
      %sign3A_186 = arith.constant 0 : i32
      %sign3A_187 = arith.cmpi slt, %add3A_180, %sign3A_186 : i32
      %sign3A_188 = arith.extui %sign3A_187 : i1 to i32
      %sign3A_189 = arith.subi %sign3A_185, %sign3A_188 : i32
      %sign3A_190 = arith.constant 0 : i32
      %sign3A_191 = arith.cmpi sgt, %jit3A_181, %sign3A_190 : i32
      %sign3A_192 = arith.extui %sign3A_191 : i1 to i32
      %sign3A_193 = arith.constant 0 : i32
      %sign3A_194 = arith.cmpi slt, %jit3A_181, %sign3A_193 : i32
      %sign3A_195 = arith.extui %sign3A_194 : i1 to i32
      %sign3A_196 = arith.subi %sign3A_192, %sign3A_195 : i32
      %ne3A_197 = arith.cmpi ne, %sign3A_189, %sign3A_196 : i32
      %rem3A_198 = arith.remsi %add3A_180, %jit3A_181 : i32
      %ne3A_199 = arith.constant 0 : i32
      %ne3A_200 = arith.cmpi ne, %rem3A_198, %ne3A_199 : i32
      %and3A_201 = arith.andi %ne3A_197, %ne3A_200 : i1
      %sub3A_202 = arith.constant 1 : i32
      %sub3A_203 = arith.subi %div3A_182, %sub3A_202 : i32
      %select_n3A_204 = arith.select %and3A_201, %sub3A_203, %div3A_182 : i32
      %jit3A_205 = arith.constant 8 : i32
      %div3A_206 = arith.divsi %add3A_180, %jit3A_205 : i32
      %sign3A_207 = arith.constant 0 : i32
      %sign3A_208 = arith.cmpi sgt, %add3A_180, %sign3A_207 : i32
      %sign3A_209 = arith.extui %sign3A_208 : i1 to i32
      %sign3A_210 = arith.constant 0 : i32
      %sign3A_211 = arith.cmpi slt, %add3A_180, %sign3A_210 : i32
      %sign3A_212 = arith.extui %sign3A_211 : i1 to i32
      %sign3A_213 = arith.subi %sign3A_209, %sign3A_212 : i32
      %sign3A_214 = arith.constant 0 : i32
      %sign3A_215 = arith.cmpi sgt, %jit3A_205, %sign3A_214 : i32
      %sign3A_216 = arith.extui %sign3A_215 : i1 to i32
      %sign3A_217 = arith.constant 0 : i32
      %sign3A_218 = arith.cmpi slt, %jit3A_205, %sign3A_217 : i32
      %sign3A_219 = arith.extui %sign3A_218 : i1 to i32
      %sign3A_220 = arith.subi %sign3A_216, %sign3A_219 : i32
      %ne3A_221 = arith.cmpi ne, %sign3A_213, %sign3A_220 : i32
      %rem3A_222 = arith.remsi %add3A_180, %jit3A_205 : i32
      %ne3A_223 = arith.constant 0 : i32
      %ne3A_224 = arith.cmpi ne, %rem3A_222, %ne3A_223 : i32
      %and3A_225 = arith.andi %ne3A_221, %ne3A_224 : i1
      %sub3A_226 = arith.constant 1 : i32
      %sub3A_227 = arith.subi %div3A_206, %sub3A_226 : i32
      %select_n3A_228 = arith.select %and3A_225, %sub3A_227, %div3A_206 : i32
      %jit3A_229 = arith.constant 24 : i32
      %eq3A_230 = arith.constant 0 : i32
      %eq3A_231 = arith.cmpi eq, %jit3A_229, %eq3A_230 : i32
      %jit3A_232 = arith.constant 1 : i32
      %select_n3A_233 = arith.select %eq3A_231, %jit3A_232, %jit3A_229 : i32
      %rem3A_234 = arith.remsi %select_n3A_228, %select_n3A_233 : i32
      %ne3A_235 = arith.constant 0 : i32
      %ne3A_236 = arith.cmpi ne, %rem3A_234, %ne3A_235 : i32
      %lt3A_237 = arith.constant 0 : i32
      %lt3A_238 = arith.cmpi slt, %rem3A_234, %lt3A_237 : i32
      %lt3A_239 = arith.constant 0 : i32
      %lt3A_240 = arith.cmpi slt, %select_n3A_233, %lt3A_239 : i32
      %ne3A_241 = arith.xori %lt3A_238, %lt3A_240 : i1
      %and3A_242 = arith.andi %ne3A_241, %ne3A_236 : i1
      %add3A_243 = arith.addi %rem3A_234, %select_n3A_233 : i32
      %select_n3A_244 = arith.select %and3A_242, %add3A_243, %rem3A_234 : i32
      %jit3A_245 = arith.constant 8 : i32
      %eq3A_246 = arith.constant 0 : i32
      %eq3A_247 = arith.cmpi eq, %jit3A_245, %eq3A_246 : i32
      %jit3A_248 = arith.constant 1 : i32
      %select_n3A_249 = arith.select %eq3A_247, %jit3A_248, %jit3A_245 : i32
      %rem3A_250 = arith.remsi %add3A_180, %select_n3A_249 : i32
      %ne3A_251 = arith.constant 0 : i32
      %ne3A_252 = arith.cmpi ne, %rem3A_250, %ne3A_251 : i32
      %lt3A_253 = arith.constant 0 : i32
      %lt3A_254 = arith.cmpi slt, %rem3A_250, %lt3A_253 : i32
      %lt3A_255 = arith.constant 0 : i32
      %lt3A_256 = arith.cmpi slt, %select_n3A_249, %lt3A_255 : i32
      %ne3A_257 = arith.xori %lt3A_254, %lt3A_256 : i1
      %and3A_258 = arith.andi %ne3A_257, %ne3A_252 : i1
      %add3A_259 = arith.addi %rem3A_250, %select_n3A_249 : i32
      %select_n3A_260 = arith.select %and3A_258, %add3A_259, %rem3A_250 : i32
      %dma_start3A_261 = arith.constant 0 : i32
      %dma_start3A_262 = arith.constant 0 : i32
      %dma_start3A_263 = arith.constant 0 : i32
      %dma_start3A_264 = tpu.memref_slice %arg10[%dma_start3A_261, %dma_start3A_262, %dma_start3A_263] : memref<8x8x129xf32, #tpu.memory_space<vmem>> -> memref<8x8x128xf32, #tpu.memory_space<vmem>>
      %dma_start3A_265 = arith.constant 0 : i32
      %dma_start3A_266 = arith.constant 0 : i32
      %dma_start3A_267 = arith.constant 0 : i32
      %dma_start3A_268 = tpu.memref_slice %arg5[%select_n3A_204, %select_n3A_244, %dma_start3A_265, %select_n3A_260, %dma_start3A_266, %dma_start3A_267] : memref<20x24x8x8x8x128xf32, #tpu.memory_space<hbm>> -> memref<1x1x8x1x8x128xf32, #tpu.memory_space<hbm>>
      %dma_start3A_269 = tpu.memref_squeeze %dma_start3A_268 : memref<1x1x8x1x8x128xf32, #tpu.memory_space<hbm>> -> memref<8x8x128xf32, #tpu.memory_space<hbm>>
      %dma_start3A_270 = arith.constant 0 : i32
      %dma_start3A_271 = arith.constant 0 : i32
      %dma_start3A_272 = arith.constant 0 : i32
      %dma_start3A_273 = tpu.memref_slice %arg5[%select_n3A_204, %select_n3A_244, %dma_start3A_270, %select_n3A_260, %dma_start3A_271, %dma_start3A_272] : memref<20x24x8x8x8x128xf32, #tpu.memory_space<hbm>> -> memref<1x1x8x1x8x128xf32, #tpu.memory_space<hbm>>
      %dma_start3A_274 = tpu.memref_squeeze %dma_start3A_273 : memref<1x1x8x1x8x128xf32, #tpu.memory_space<hbm>> -> memref<8x8x128xf32, #tpu.memory_space<hbm>>
      %dma_start3A_275 = arith.constant 0 : i32
      %dma_start3A_276 = arith.constant 0 : i32
      %dma_start3A_277 = arith.constant 0 : i32
      %dma_start3A_278 = tpu.memref_slice %arg10[%dma_start3A_275, %dma_start3A_276, %dma_start3A_277] : memref<8x8x129xf32, #tpu.memory_space<vmem>> -> memref<8x8x128xf32, #tpu.memory_space<vmem>>
      tpu.enqueue_dma source(%dma_start3A_278 : memref<8x8x128xf32, #tpu.memory_space<vmem>>) target(%dma_start3A_274 : memref<8x8x128xf32, #tpu.memory_space<hbm>>) target_semaphore(%arg17 : memref<!tpu.dma_semaphore, #tpu.memory_space<semaphore_mem>>)
      %mul3A_279 = arith.constant 3 : i32
      %mul3A_280 = arith.muli %scan3A_108, %mul3A_279 : i32
      %add3A_281 = arith.constant 1 : i32
      %add3A_282 = arith.addi %mul3A_280, %add3A_281 : i32
      %ge3A_283 = arith.constant 3 : i32
      %ge3A_284 = arith.cmpi sge, %add3A_282, %ge3A_283 : i32
      %convert_element_type3A_285 = arith.extui %ge3A_284 : i1 to i32
      %cond3A_286 = arith.constant 0 : i32
      %cond3A_287 = arith.cmpi ne, %convert_element_type3A_285, %cond3A_286 : i32
      scf.if %cond3A_287 {
        %dma_wait3A_645 = arith.constant 0 : i32
        %dma_wait3A_646 = arith.constant 0 : i32
        %dma_wait3A_647 = arith.constant 0 : i32
        %dma_wait3A_648 = arith.constant 0 : i32
        %dma_wait3A_649 = arith.constant 0 : i32
        %dma_wait3A_650 = arith.constant 0 : i32
        %dma_wait3A_651 = tpu.memref_slice %arg11[%dma_wait3A_648, %dma_wait3A_649, %dma_wait3A_650] : memref<8x8x129xf32, #tpu.memory_space<vmem>> -> memref<8x8x128xf32, #tpu.memory_space<vmem>>
        %dma_wait3A_652 = arith.constant 0 : i32
        %dma_wait3A_653 = arith.constant 0 : i32
        %dma_wait3A_654 = arith.constant 0 : i32
        %dma_wait3A_655 = tpu.memref_slice %arg5[%dma_wait3A_645, %dma_wait3A_646, %dma_wait3A_652, %dma_wait3A_647, %dma_wait3A_653, %dma_wait3A_654] : memref<20x24x8x8x8x128xf32, #tpu.memory_space<hbm>> -> memref<1x1x8x1x8x128xf32, #tpu.memory_space<hbm>>
        %dma_wait3A_656 = tpu.memref_squeeze %dma_wait3A_655 : memref<1x1x8x1x8x128xf32, #tpu.memory_space<hbm>> -> memref<8x8x128xf32, #tpu.memory_space<hbm>>
        %dma_wait3A_657 = arith.constant 0 : i32
        %dma_wait3A_658 = arith.constant 0 : i32
        %dma_wait3A_659 = arith.constant 0 : i32
        %dma_wait3A_660 = tpu.memref_slice %arg11[%dma_wait3A_657, %dma_wait3A_658, %dma_wait3A_659] : memref<8x8x129xf32, #tpu.memory_space<vmem>> -> memref<8x8x128xf32, #tpu.memory_space<vmem>>
        %dma_wait3A_661 = arith.constant 0 : i32
        %dma_wait3A_662 = arith.constant 0 : i32
        %dma_wait3A_663 = arith.constant 0 : i32
        %dma_wait3A_664 = tpu.memref_slice %arg5[%dma_wait3A_645, %dma_wait3A_646, %dma_wait3A_661, %dma_wait3A_647, %dma_wait3A_662, %dma_wait3A_663] : memref<20x24x8x8x8x128xf32, #tpu.memory_space<hbm>> -> memref<1x1x8x1x8x128xf32, #tpu.memory_space<hbm>>
        %dma_wait3A_665 = tpu.memref_squeeze %dma_wait3A_664 : memref<1x1x8x1x8x128xf32, #tpu.memory_space<hbm>> -> memref<8x8x128xf32, #tpu.memory_space<hbm>>
        tpu.wait_dma2 semaphore(%arg18 : memref<!tpu.dma_semaphore, #tpu.memory_space<semaphore_mem>>) src(%dma_wait3A_665 : memref<8x8x128xf32, #tpu.memory_space<hbm>>) dst(%dma_wait3A_660 : memref<8x8x128xf32, #tpu.memory_space<vmem>>)
      } else {
      }
      %add3A_288 = arith.constant 3 : i32
      %add3A_289 = arith.addi %add3A_282, %add3A_288 : i32
      %sub3A_290 = arith.constant 1 : i32
      %sub3A_291 = arith.subi %add3A_289, %sub3A_290 : i32
      %lt3A_292 = arith.constant 120 : i32
      %lt3A_293 = arith.cmpi slt, %sub3A_291, %lt3A_292 : i32
      %convert_element_type3A_294 = arith.extui %lt3A_293 : i1 to i32
      %cond3A_295 = arith.constant 0 : i32
      %cond3A_296 = arith.cmpi ne, %convert_element_type3A_294, %cond3A_295 : i32
      scf.if %cond3A_296 {
        %add3A_645 = arith.constant 3 : i32
        %add3A_646 = arith.addi %add3A_282, %add3A_645 : i32
        %sub3A_647 = arith.constant 1 : i32
        %sub3A_648 = arith.subi %add3A_646, %sub3A_647 : i32
        %dma_start3A_649 = arith.constant 0 : i32
        %dma_start3A_650 = tpu.memref_slice %arg6[%sub3A_648, %dma_start3A_649] : memref<120x128xi32, #tpu.memory_space<vmem>> -> memref<1x128xi32, #tpu.memory_space<vmem>>
        %dma_start3A_651 = tpu.memref_squeeze %dma_start3A_650 : memref<1x128xi32, #tpu.memory_space<vmem>> -> memref<128xi32, #tpu.memory_space<vmem>>
        %dma_start3A_652 = arith.constant 0 : i32
        %dma_start3A_653 = arith.constant 0 : i32
        %dma_start3A_654 = tpu.memref_slice %arg3[%dma_start3A_652, %dma_start3A_653] : memref<100000x64xf32, #tpu.memory_space<hbm>> -> memref<100000x64xf32, #tpu.memory_space<hbm>>
        tpu.enqueue_indirect_dma source(%dma_start3A_654 : memref<100000x64xf32, #tpu.memory_space<hbm>>) target(%arg7 : memref<128x64xf32, #tpu.memory_space<vmem>>) offsets(%dma_start3A_651 : memref<128xi32, #tpu.memory_space<vmem>>) semaphore(%arg14 : memref<!tpu.dma_semaphore, #tpu.memory_space<semaphore_mem>>)
      } else {
      }
      %dma_wait3A_297 = arith.constant 0 : i32
      %dma_wait3A_298 = arith.constant 0 : i32
      %dma_wait3A_299 = tpu.memref_slice %arg3[%dma_wait3A_297, %dma_wait3A_298] : memref<100000x64xf32, #tpu.memory_space<hbm>> -> memref<128x64xf32, #tpu.memory_space<hbm>>
      %dma_wait3A_300 = arith.constant 0 : i32
      %dma_wait3A_301 = arith.constant 0 : i32
      %dma_wait3A_302 = tpu.memref_slice %arg3[%dma_wait3A_300, %dma_wait3A_301] : memref<100000x64xf32, #tpu.memory_space<hbm>> -> memref<128x64xf32, #tpu.memory_space<hbm>>
      tpu.wait_dma2 semaphore(%arg15 : memref<!tpu.dma_semaphore, #tpu.memory_space<semaphore_mem>>) src(%dma_wait3A_302 : memref<128x64xf32, #tpu.memory_space<hbm>>) dst(%arg8 : memref<128x64xf32, #tpu.memory_space<vmem>>)
      %add3A_303 = arith.addi %multiple_of3A, %add3A_282 : i32
      %jit3A_304 = arith.constant 8 : i32
      %div3A_305 = arith.divsi %add3A_303, %jit3A_304 : i32
      %sign3A_306 = arith.constant 0 : i32
      %sign3A_307 = arith.cmpi sgt, %add3A_303, %sign3A_306 : i32
      %sign3A_308 = arith.extui %sign3A_307 : i1 to i32
      %sign3A_309 = arith.constant 0 : i32
      %sign3A_310 = arith.cmpi slt, %add3A_303, %sign3A_309 : i32
      %sign3A_311 = arith.extui %sign3A_310 : i1 to i32
      %sign3A_312 = arith.subi %sign3A_308, %sign3A_311 : i32
      %sign3A_313 = arith.constant 0 : i32
      %sign3A_314 = arith.cmpi sgt, %jit3A_304, %sign3A_313 : i32
      %sign3A_315 = arith.extui %sign3A_314 : i1 to i32
      %sign3A_316 = arith.constant 0 : i32
      %sign3A_317 = arith.cmpi slt, %jit3A_304, %sign3A_316 : i32
      %sign3A_318 = arith.extui %sign3A_317 : i1 to i32
      %sign3A_319 = arith.subi %sign3A_315, %sign3A_318 : i32
      %ne3A_320 = arith.cmpi ne, %sign3A_312, %sign3A_319 : i32
      %rem3A_321 = arith.remsi %add3A_303, %jit3A_304 : i32
      %ne3A_322 = arith.constant 0 : i32
      %ne3A_323 = arith.cmpi ne, %rem3A_321, %ne3A_322 : i32
      %and3A_324 = arith.andi %ne3A_320, %ne3A_323 : i1
      %sub3A_325 = arith.constant 1 : i32
      %sub3A_326 = arith.subi %div3A_305, %sub3A_325 : i32
      %select_n3A_327 = arith.select %and3A_324, %sub3A_326, %div3A_305 : i32
      %jit3A_328 = arith.constant 24 : i32
      %eq3A_329 = arith.constant 0 : i32
      %eq3A_330 = arith.cmpi eq, %jit3A_328, %eq3A_329 : i32
      %jit3A_331 = arith.constant 1 : i32
      %select_n3A_332 = arith.select %eq3A_330, %jit3A_331, %jit3A_328 : i32
      %rem3A_333 = arith.remsi %select_n3A_327, %select_n3A_332 : i32
      %ne3A_334 = arith.constant 0 : i32
      %ne3A_335 = arith.cmpi ne, %rem3A_333, %ne3A_334 : i32
      %lt3A_336 = arith.constant 0 : i32
      %lt3A_337 = arith.cmpi slt, %rem3A_333, %lt3A_336 : i32
      %lt3A_338 = arith.constant 0 : i32
      %lt3A_339 = arith.cmpi slt, %select_n3A_332, %lt3A_338 : i32
      %ne3A_340 = arith.xori %lt3A_337, %lt3A_339 : i1
      %and3A_341 = arith.andi %ne3A_340, %ne3A_335 : i1
      %add3A_342 = arith.addi %rem3A_333, %select_n3A_332 : i32
      %select_n3A_343 = arith.select %and3A_341, %add3A_342, %rem3A_333 : i32
      %get3A_344 = arith.index_cast %select_n3A_343 : i32 to index
      %get3A_345 = arith.constant 0 : index
      %get3A_346 = tpu.vector_load %arg13[%get3A_344, %get3A_345] {strides = array<i32>} : memref<24x64xf32, #tpu.memory_space<vmem>>, vector<16xf32>,
      %get3A_347 = arith.index_cast %select_n3A_343 : i32 to index
      %get3A_348 = arith.constant 16 : index
      %get3A_349 = tpu.vector_load %arg13[%get3A_347, %get3A_348] {strides = array<i32>} : memref<24x64xf32, #tpu.memory_space<vmem>>, vector<16xf32>,
      %get3A_350 = arith.index_cast %select_n3A_343 : i32 to index
      %get3A_351 = arith.constant 32 : index
      %get3A_352 = tpu.vector_load %arg13[%get3A_350, %get3A_351] {strides = array<i32>} : memref<24x64xf32, #tpu.memory_space<vmem>>, vector<16xf32>,
      %get3A_353 = arith.index_cast %select_n3A_343 : i32 to index
      %get3A_354 = arith.constant 48 : index
      %get3A_355 = tpu.vector_load %arg13[%get3A_353, %get3A_354] {strides = array<i32>} : memref<24x64xf32, #tpu.memory_space<vmem>>, vector<16xf32>,
      %scan3A_356 = arith.constant 0 : i32
      %scan3A_357 = arith.constant 0 : i32
      %scan3A_358 = arith.constant 128 : i32
      %scan3A_359 = arith.addi %scan3A_357, %scan3A_358 : i32
      %scan3A_360 = arith.constant 4 : i32
      %scan3A_361 = scf.for %scan3A_645 = %scan3A_357 to %scan3A_359 step %scan3A_360 iter_args(%scan3A_646 = %scan3A_356) -> (i32)  : i32 {
        %broadcast_in_dim3A = vector.broadcast %scan3A_645 : i32 to vector<16xi32>
        %get3A_647 = arith.index_cast %scan3A_645 : i32 to index
        %get3A_648 = arith.constant 0 : index
        %get3A_649 = tpu.vector_load %arg8[%get3A_647, %get3A_648] {strides = array<i32>} : memref<128x64xf32, #tpu.memory_space<vmem>>, vector<16xf32>,
        %add3A_650 = arith.addf %get3A_649, %get3A_346 : vector<16xf32>
        tpu.vector_store_idx %arg11[%add3A_9, %and3A_4, %broadcast_in_dim3A], %add3A_650 : memref<8x8x129xf32, #tpu.memory_space<vmem>>[vector<16xi32>, vector<16xi32>, vector<16xi32>], vector<16xf32>,
        %get3A_651 = arith.index_cast %scan3A_645 : i32 to index
        %get3A_652 = arith.constant 16 : index
        %get3A_653 = tpu.vector_load %arg8[%get3A_651, %get3A_652] {strides = array<i32>} : memref<128x64xf32, #tpu.memory_space<vmem>>, vector<16xf32>,
        %add3A_654 = arith.addf %get3A_653, %get3A_349 : vector<16xf32>
        tpu.vector_store_idx %arg11[%add3A_15, %and3A_4, %broadcast_in_dim3A], %add3A_654 : memref<8x8x129xf32, #tpu.memory_space<vmem>>[vector<16xi32>, vector<16xi32>, vector<16xi32>], vector<16xf32>,
        %get3A_655 = arith.index_cast %scan3A_645 : i32 to index
        %get3A_656 = arith.constant 32 : index
        %get3A_657 = tpu.vector_load %arg8[%get3A_655, %get3A_656] {strides = array<i32>} : memref<128x64xf32, #tpu.memory_space<vmem>>, vector<16xf32>,
        %add3A_658 = arith.addf %get3A_657, %get3A_352 : vector<16xf32>
        tpu.vector_store_idx %arg11[%add3A_21, %and3A_4, %broadcast_in_dim3A], %add3A_658 : memref<8x8x129xf32, #tpu.memory_space<vmem>>[vector<16xi32>, vector<16xi32>, vector<16xi32>], vector<16xf32>,
        %get3A_659 = arith.index_cast %scan3A_645 : i32 to index
        %get3A_660 = arith.constant 48 : index
        %get3A_661 = tpu.vector_load %arg8[%get3A_659, %get3A_660] {strides = array<i32>} : memref<128x64xf32, #tpu.memory_space<vmem>>, vector<16xf32>,
        %add3A_662 = arith.addf %get3A_661, %get3A_355 : vector<16xf32>
        tpu.vector_store_idx %arg11[%add3A_27, %and3A_4, %broadcast_in_dim3A], %add3A_662 : memref<8x8x129xf32, #tpu.memory_space<vmem>>[vector<16xi32>, vector<16xi32>, vector<16xi32>], vector<16xf32>,
        %scan3A_663 = arith.constant 0 : i32
        %scan3A_664 = arith.constant 1 : i32
        %scan3A_665 = arith.addi %scan3A_645, %scan3A_664 : i32
        %broadcast_in_dim3A_666 = vector.broadcast %scan3A_665 : i32 to vector<16xi32>
        %get3A_667 = arith.index_cast %scan3A_665 : i32 to index
        %get3A_668 = arith.constant 0 : index
        %get3A_669 = tpu.vector_load %arg8[%get3A_667, %get3A_668] {strides = array<i32>} : memref<128x64xf32, #tpu.memory_space<vmem>>, vector<16xf32>,
        %add3A_670 = arith.addf %get3A_669, %get3A_346 : vector<16xf32>
        tpu.vector_store_idx %arg11[%add3A_9, %and3A_4, %broadcast_in_dim3A_666], %add3A_670 : memref<8x8x129xf32, #tpu.memory_space<vmem>>[vector<16xi32>, vector<16xi32>, vector<16xi32>], vector<16xf32>,
        %get3A_671 = arith.index_cast %scan3A_665 : i32 to index
        %get3A_672 = arith.constant 16 : index
        %get3A_673 = tpu.vector_load %arg8[%get3A_671, %get3A_672] {strides = array<i32>} : memref<128x64xf32, #tpu.memory_space<vmem>>, vector<16xf32>,
        %add3A_674 = arith.addf %get3A_673, %get3A_349 : vector<16xf32>
        tpu.vector_store_idx %arg11[%add3A_15, %and3A_4, %broadcast_in_dim3A_666], %add3A_674 : memref<8x8x129xf32, #tpu.memory_space<vmem>>[vector<16xi32>, vector<16xi32>, vector<16xi32>], vector<16xf32>,
        %get3A_675 = arith.index_cast %scan3A_665 : i32 to index
        %get3A_676 = arith.constant 32 : index
        %get3A_677 = tpu.vector_load %arg8[%get3A_675, %get3A_676] {strides = array<i32>} : memref<128x64xf32, #tpu.memory_space<vmem>>, vector<16xf32>,
        %add3A_678 = arith.addf %get3A_677, %get3A_352 : vector<16xf32>
        tpu.vector_store_idx %arg11[%add3A_21, %and3A_4, %broadcast_in_dim3A_666], %add3A_678 : memref<8x8x129xf32, #tpu.memory_space<vmem>>[vector<16xi32>, vector<16xi32>, vector<16xi32>], vector<16xf32>,
        %get3A_679 = arith.index_cast %scan3A_665 : i32 to index
        %get3A_680 = arith.constant 48 : index
        %get3A_681 = tpu.vector_load %arg8[%get3A_679, %get3A_680] {strides = array<i32>} : memref<128x64xf32, #tpu.memory_space<vmem>>, vector<16xf32>,
        %add3A_682 = arith.addf %get3A_681, %get3A_355 : vector<16xf32>
        tpu.vector_store_idx %arg11[%add3A_27, %and3A_4, %broadcast_in_dim3A_666], %add3A_682 : memref<8x8x129xf32, #tpu.memory_space<vmem>>[vector<16xi32>, vector<16xi32>, vector<16xi32>], vector<16xf32>,
        %scan3A_683 = arith.constant 0 : i32
        %scan3A_684 = arith.constant 2 : i32
        %scan3A_685 = arith.addi %scan3A_645, %scan3A_684 : i32
        %broadcast_in_dim3A_686 = vector.broadcast %scan3A_685 : i32 to vector<16xi32>
        %get3A_687 = arith.index_cast %scan3A_685 : i32 to index
        %get3A_688 = arith.constant 0 : index
        %get3A_689 = tpu.vector_load %arg8[%get3A_687, %get3A_688] {strides = array<i32>} : memref<128x64xf32, #tpu.memory_space<vmem>>, vector<16xf32>,
        %add3A_690 = arith.addf %get3A_689, %get3A_346 : vector<16xf32>
        tpu.vector_store_idx %arg11[%add3A_9, %and3A_4, %broadcast_in_dim3A_686], %add3A_690 : memref<8x8x129xf32, #tpu.memory_space<vmem>>[vector<16xi32>, vector<16xi32>, vector<16xi32>], vector<16xf32>,
        %get3A_691 = arith.index_cast %scan3A_685 : i32 to index
        %get3A_692 = arith.constant 16 : index
        %get3A_693 = tpu.vector_load %arg8[%get3A_691, %get3A_692] {strides = array<i32>} : memref<128x64xf32, #tpu.memory_space<vmem>>, vector<16xf32>,
        %add3A_694 = arith.addf %get3A_693, %get3A_349 : vector<16xf32>
        tpu.vector_store_idx %arg11[%add3A_15, %and3A_4, %broadcast_in_dim3A_686], %add3A_694 : memref<8x8x129xf32, #tpu.memory_space<vmem>>[vector<16xi32>, vector<16xi32>, vector<16xi32>], vector<16xf32>,
        %get3A_695 = arith.index_cast %scan3A_685 : i32 to index
        %get3A_696 = arith.constant 32 : index
        %get3A_697 = tpu.vector_load %arg8[%get3A_695, %get3A_696] {strides = array<i32>} : memref<128x64xf32, #tpu.memory_space<vmem>>, vector<16xf32>,
        %add3A_698 = arith.addf %get3A_697, %get3A_352 : vector<16xf32>
        tpu.vector_store_idx %arg11[%add3A_21, %and3A_4, %broadcast_in_dim3A_686], %add3A_698 : memref<8x8x129xf32, #tpu.memory_space<vmem>>[vector<16xi32>, vector<16xi32>, vector<16xi32>], vector<16xf32>,
        %get3A_699 = arith.index_cast %scan3A_685 : i32 to index
        %get3A_700 = arith.constant 48 : index
        %get3A_701 = tpu.vector_load %arg8[%get3A_699, %get3A_700] {strides = array<i32>} : memref<128x64xf32, #tpu.memory_space<vmem>>, vector<16xf32>,
        %add3A_702 = arith.addf %get3A_701, %get3A_355 : vector<16xf32>
        tpu.vector_store_idx %arg11[%add3A_27, %and3A_4, %broadcast_in_dim3A_686], %add3A_702 : memref<8x8x129xf32, #tpu.memory_space<vmem>>[vector<16xi32>, vector<16xi32>, vector<16xi32>], vector<16xf32>,
        %scan3A_703 = arith.constant 0 : i32
        %scan3A_704 = arith.constant 3 : i32
        %scan3A_705 = arith.addi %scan3A_645, %scan3A_704 : i32
        %broadcast_in_dim3A_706 = vector.broadcast %scan3A_705 : i32 to vector<16xi32>
        %get3A_707 = arith.index_cast %scan3A_705 : i32 to index
        %get3A_708 = arith.constant 0 : index
        %get3A_709 = tpu.vector_load %arg8[%get3A_707, %get3A_708] {strides = array<i32>} : memref<128x64xf32, #tpu.memory_space<vmem>>, vector<16xf32>,
        %add3A_710 = arith.addf %get3A_709, %get3A_346 : vector<16xf32>
        tpu.vector_store_idx %arg11[%add3A_9, %and3A_4, %broadcast_in_dim3A_706], %add3A_710 : memref<8x8x129xf32, #tpu.memory_space<vmem>>[vector<16xi32>, vector<16xi32>, vector<16xi32>], vector<16xf32>,
        %get3A_711 = arith.index_cast %scan3A_705 : i32 to index
        %get3A_712 = arith.constant 16 : index
        %get3A_713 = tpu.vector_load %arg8[%get3A_711, %get3A_712] {strides = array<i32>} : memref<128x64xf32, #tpu.memory_space<vmem>>, vector<16xf32>,
        %add3A_714 = arith.addf %get3A_713, %get3A_349 : vector<16xf32>
        tpu.vector_store_idx %arg11[%add3A_15, %and3A_4, %broadcast_in_dim3A_706], %add3A_714 : memref<8x8x129xf32, #tpu.memory_space<vmem>>[vector<16xi32>, vector<16xi32>, vector<16xi32>], vector<16xf32>,
        %get3A_715 = arith.index_cast %scan3A_705 : i32 to index
        %get3A_716 = arith.constant 32 : index
        %get3A_717 = tpu.vector_load %arg8[%get3A_715, %get3A_716] {strides = array<i32>} : memref<128x64xf32, #tpu.memory_space<vmem>>, vector<16xf32>,
        %add3A_718 = arith.addf %get3A_717, %get3A_352 : vector<16xf32>
        tpu.vector_store_idx %arg11[%add3A_21, %and3A_4, %broadcast_in_dim3A_706], %add3A_718 : memref<8x8x129xf32, #tpu.memory_space<vmem>>[vector<16xi32>, vector<16xi32>, vector<16xi32>], vector<16xf32>,
        %get3A_719 = arith.index_cast %scan3A_705 : i32 to index
        %get3A_720 = arith.constant 48 : index
        %get3A_721 = tpu.vector_load %arg8[%get3A_719, %get3A_720] {strides = array<i32>} : memref<128x64xf32, #tpu.memory_space<vmem>>, vector<16xf32>,
        %add3A_722 = arith.addf %get3A_721, %get3A_355 : vector<16xf32>
        tpu.vector_store_idx %arg11[%add3A_27, %and3A_4, %broadcast_in_dim3A_706], %add3A_722 : memref<8x8x129xf32, #tpu.memory_space<vmem>>[vector<16xi32>, vector<16xi32>, vector<16xi32>], vector<16xf32>,
        %scan3A_723 = arith.constant 0 : i32
        scf.yield %scan3A_723 : i32
      }
      %scan3A_362 = arith.constant 128 : i32
      %add3A_363 = arith.addi %multiple_of3A, %add3A_282 : i32
      %jit3A_364 = arith.constant 192 : i32
      %div3A_365 = arith.divsi %add3A_363, %jit3A_364 : i32
      %sign3A_366 = arith.constant 0 : i32
      %sign3A_367 = arith.cmpi sgt, %add3A_363, %sign3A_366 : i32
      %sign3A_368 = arith.extui %sign3A_367 : i1 to i32
      %sign3A_369 = arith.constant 0 : i32
      %sign3A_370 = arith.cmpi slt, %add3A_363, %sign3A_369 : i32
      %sign3A_371 = arith.extui %sign3A_370 : i1 to i32
      %sign3A_372 = arith.subi %sign3A_368, %sign3A_371 : i32
      %sign3A_373 = arith.constant 0 : i32
      %sign3A_374 = arith.cmpi sgt, %jit3A_364, %sign3A_373 : i32
      %sign3A_375 = arith.extui %sign3A_374 : i1 to i32
      %sign3A_376 = arith.constant 0 : i32
      %sign3A_377 = arith.cmpi slt, %jit3A_364, %sign3A_376 : i32
      %sign3A_378 = arith.extui %sign3A_377 : i1 to i32
      %sign3A_379 = arith.subi %sign3A_375, %sign3A_378 : i32
      %ne3A_380 = arith.cmpi ne, %sign3A_372, %sign3A_379 : i32
      %rem3A_381 = arith.remsi %add3A_363, %jit3A_364 : i32
      %ne3A_382 = arith.constant 0 : i32
      %ne3A_383 = arith.cmpi ne, %rem3A_381, %ne3A_382 : i32
      %and3A_384 = arith.andi %ne3A_380, %ne3A_383 : i1
      %sub3A_385 = arith.constant 1 : i32
      %sub3A_386 = arith.subi %div3A_365, %sub3A_385 : i32
      %select_n3A_387 = arith.select %and3A_384, %sub3A_386, %div3A_365 : i32
      %jit3A_388 = arith.constant 8 : i32
      %div3A_389 = arith.divsi %add3A_363, %jit3A_388 : i32
      %sign3A_390 = arith.constant 0 : i32
      %sign3A_391 = arith.cmpi sgt, %add3A_363, %sign3A_390 : i32
      %sign3A_392 = arith.extui %sign3A_391 : i1 to i32
      %sign3A_393 = arith.constant 0 : i32
      %sign3A_394 = arith.cmpi slt, %add3A_363, %sign3A_393 : i32
      %sign3A_395 = arith.extui %sign3A_394 : i1 to i32
      %sign3A_396 = arith.subi %sign3A_392, %sign3A_395 : i32
      %sign3A_397 = arith.constant 0 : i32
      %sign3A_398 = arith.cmpi sgt, %jit3A_388, %sign3A_397 : i32
      %sign3A_399 = arith.extui %sign3A_398 : i1 to i32
      %sign3A_400 = arith.constant 0 : i32
      %sign3A_401 = arith.cmpi slt, %jit3A_388, %sign3A_400 : i32
      %sign3A_402 = arith.extui %sign3A_401 : i1 to i32
      %sign3A_403 = arith.subi %sign3A_399, %sign3A_402 : i32
      %ne3A_404 = arith.cmpi ne, %sign3A_396, %sign3A_403 : i32
      %rem3A_405 = arith.remsi %add3A_363, %jit3A_388 : i32
      %ne3A_406 = arith.constant 0 : i32
      %ne3A_407 = arith.cmpi ne, %rem3A_405, %ne3A_406 : i32
      %and3A_408 = arith.andi %ne3A_404, %ne3A_407 : i1
      %sub3A_409 = arith.constant 1 : i32
      %sub3A_410 = arith.subi %div3A_389, %sub3A_409 : i32
      %select_n3A_411 = arith.select %and3A_408, %sub3A_410, %div3A_389 : i32
      %jit3A_412 = arith.constant 24 : i32
      %eq3A_413 = arith.constant 0 : i32
      %eq3A_414 = arith.cmpi eq, %jit3A_412, %eq3A_413 : i32
      %jit3A_415 = arith.constant 1 : i32
      %select_n3A_416 = arith.select %eq3A_414, %jit3A_415, %jit3A_412 : i32
      %rem3A_417 = arith.remsi %select_n3A_411, %select_n3A_416 : i32
      %ne3A_418 = arith.constant 0 : i32
      %ne3A_419 = arith.cmpi ne, %rem3A_417, %ne3A_418 : i32
      %lt3A_420 = arith.constant 0 : i32
      %lt3A_421 = arith.cmpi slt, %rem3A_417, %lt3A_420 : i32
      %lt3A_422 = arith.constant 0 : i32
      %lt3A_423 = arith.cmpi slt, %select_n3A_416, %lt3A_422 : i32
      %ne3A_424 = arith.xori %lt3A_421, %lt3A_423 : i1
      %and3A_425 = arith.andi %ne3A_424, %ne3A_419 : i1
      %add3A_426 = arith.addi %rem3A_417, %select_n3A_416 : i32
      %select_n3A_427 = arith.select %and3A_425, %add3A_426, %rem3A_417 : i32
      %jit3A_428 = arith.constant 8 : i32
      %eq3A_429 = arith.constant 0 : i32
      %eq3A_430 = arith.cmpi eq, %jit3A_428, %eq3A_429 : i32
      %jit3A_431 = arith.constant 1 : i32
      %select_n3A_432 = arith.select %eq3A_430, %jit3A_431, %jit3A_428 : i32
      %rem3A_433 = arith.remsi %add3A_363, %select_n3A_432 : i32
      %ne3A_434 = arith.constant 0 : i32
      %ne3A_435 = arith.cmpi ne, %rem3A_433, %ne3A_434 : i32
      %lt3A_436 = arith.constant 0 : i32
      %lt3A_437 = arith.cmpi slt, %rem3A_433, %lt3A_436 : i32
      %lt3A_438 = arith.constant 0 : i32
      %lt3A_439 = arith.cmpi slt, %select_n3A_432, %lt3A_438 : i32
      %ne3A_440 = arith.xori %lt3A_437, %lt3A_439 : i1
      %and3A_441 = arith.andi %ne3A_440, %ne3A_435 : i1
      %add3A_442 = arith.addi %rem3A_433, %select_n3A_432 : i32
      %select_n3A_443 = arith.select %and3A_441, %add3A_442, %rem3A_433 : i32
      %dma_start3A_444 = arith.constant 0 : i32
      %dma_start3A_445 = arith.constant 0 : i32
      %dma_start3A_446 = arith.constant 0 : i32
      %dma_start3A_447 = tpu.memref_slice %arg11[%dma_start3A_444, %dma_start3A_445, %dma_start3A_446] : memref<8x8x129xf32, #tpu.memory_space<vmem>> -> memref<8x8x128xf32, #tpu.memory_space<vmem>>
      %dma_start3A_448 = arith.constant 0 : i32
      %dma_start3A_449 = arith.constant 0 : i32
      %dma_start3A_450 = arith.constant 0 : i32
      %dma_start3A_451 = tpu.memref_slice %arg5[%select_n3A_387, %select_n3A_427, %dma_start3A_448, %select_n3A_443, %dma_start3A_449, %dma_start3A_450] : memref<20x24x8x8x8x128xf32, #tpu.memory_space<hbm>> -> memref<1x1x8x1x8x128xf32, #tpu.memory_space<hbm>>
      %dma_start3A_452 = tpu.memref_squeeze %dma_start3A_451 : memref<1x1x8x1x8x128xf32, #tpu.memory_space<hbm>> -> memref<8x8x128xf32, #tpu.memory_space<hbm>>
      %dma_start3A_453 = arith.constant 0 : i32
      %dma_start3A_454 = arith.constant 0 : i32
      %dma_start3A_455 = arith.constant 0 : i32
      %dma_start3A_456 = tpu.memref_slice %arg5[%select_n3A_387, %select_n3A_427, %dma_start3A_453, %select_n3A_443, %dma_start3A_454, %dma_start3A_455] : memref<20x24x8x8x8x128xf32, #tpu.memory_space<hbm>> -> memref<1x1x8x1x8x128xf32, #tpu.memory_space<hbm>>
      %dma_start3A_457 = tpu.memref_squeeze %dma_start3A_456 : memref<1x1x8x1x8x128xf32, #tpu.memory_space<hbm>> -> memref<8x8x128xf32, #tpu.memory_space<hbm>>
      %dma_start3A_458 = arith.constant 0 : i32
      %dma_start3A_459 = arith.constant 0 : i32
      %dma_start3A_460 = arith.constant 0 : i32
      %dma_start3A_461 = tpu.memref_slice %arg11[%dma_start3A_458, %dma_start3A_459, %dma_start3A_460] : memref<8x8x129xf32, #tpu.memory_space<vmem>> -> memref<8x8x128xf32, #tpu.memory_space<vmem>>
      tpu.enqueue_dma source(%dma_start3A_461 : memref<8x8x128xf32, #tpu.memory_space<vmem>>) target(%dma_start3A_457 : memref<8x8x128xf32, #tpu.memory_space<hbm>>) target_semaphore(%arg18 : memref<!tpu.dma_semaphore, #tpu.memory_space<semaphore_mem>>)
      %mul3A_462 = arith.constant 3 : i32
      %mul3A_463 = arith.muli %scan3A_108, %mul3A_462 : i32
      %add3A_464 = arith.constant 2 : i32
      %add3A_465 = arith.addi %mul3A_463, %add3A_464 : i32
      %ge3A_466 = arith.constant 3 : i32
      %ge3A_467 = arith.cmpi sge, %add3A_465, %ge3A_466 : i32
      %convert_element_type3A_468 = arith.extui %ge3A_467 : i1 to i32
      %cond3A_469 = arith.constant 0 : i32
      %cond3A_470 = arith.cmpi ne, %convert_element_type3A_468, %cond3A_469 : i32
      scf.if %cond3A_470 {
        %dma_wait3A_645 = arith.constant 0 : i32
        %dma_wait3A_646 = arith.constant 0 : i32
        %dma_wait3A_647 = arith.constant 0 : i32
        %dma_wait3A_648 = arith.constant 0 : i32
        %dma_wait3A_649 = arith.constant 0 : i32
        %dma_wait3A_650 = arith.constant 0 : i32
        %dma_wait3A_651 = tpu.memref_slice %arg12[%dma_wait3A_648, %dma_wait3A_649, %dma_wait3A_650] : memref<8x8x129xf32, #tpu.memory_space<vmem>> -> memref<8x8x128xf32, #tpu.memory_space<vmem>>
        %dma_wait3A_652 = arith.constant 0 : i32
        %dma_wait3A_653 = arith.constant 0 : i32
        %dma_wait3A_654 = arith.constant 0 : i32
        %dma_wait3A_655 = tpu.memref_slice %arg5[%dma_wait3A_645, %dma_wait3A_646, %dma_wait3A_652, %dma_wait3A_647, %dma_wait3A_653, %dma_wait3A_654] : memref<20x24x8x8x8x128xf32, #tpu.memory_space<hbm>> -> memref<1x1x8x1x8x128xf32, #tpu.memory_space<hbm>>
        %dma_wait3A_656 = tpu.memref_squeeze %dma_wait3A_655 : memref<1x1x8x1x8x128xf32, #tpu.memory_space<hbm>> -> memref<8x8x128xf32, #tpu.memory_space<hbm>>
        %dma_wait3A_657 = arith.constant 0 : i32
        %dma_wait3A_658 = arith.constant 0 : i32
        %dma_wait3A_659 = arith.constant 0 : i32
        %dma_wait3A_660 = tpu.memref_slice %arg12[%dma_wait3A_657, %dma_wait3A_658, %dma_wait3A_659] : memref<8x8x129xf32, #tpu.memory_space<vmem>> -> memref<8x8x128xf32, #tpu.memory_space<vmem>>
        %dma_wait3A_661 = arith.constant 0 : i32
        %dma_wait3A_662 = arith.constant 0 : i32
        %dma_wait3A_663 = arith.constant 0 : i32
        %dma_wait3A_664 = tpu.memref_slice %arg5[%dma_wait3A_645, %dma_wait3A_646, %dma_wait3A_661, %dma_wait3A_647, %dma_wait3A_662, %dma_wait3A_663] : memref<20x24x8x8x8x128xf32, #tpu.memory_space<hbm>> -> memref<1x1x8x1x8x128xf32, #tpu.memory_space<hbm>>
        %dma_wait3A_665 = tpu.memref_squeeze %dma_wait3A_664 : memref<1x1x8x1x8x128xf32, #tpu.memory_space<hbm>> -> memref<8x8x128xf32, #tpu.memory_space<hbm>>
        tpu.wait_dma2 semaphore(%arg19 : memref<!tpu.dma_semaphore, #tpu.memory_space<semaphore_mem>>) src(%dma_wait3A_665 : memref<8x8x128xf32, #tpu.memory_space<hbm>>) dst(%dma_wait3A_660 : memref<8x8x128xf32, #tpu.memory_space<vmem>>)
      } else {
      }
      %add3A_471 = arith.constant 3 : i32
      %add3A_472 = arith.addi %add3A_465, %add3A_471 : i32
      %sub3A_473 = arith.constant 1 : i32
      %sub3A_474 = arith.subi %add3A_472, %sub3A_473 : i32
      %lt3A_475 = arith.constant 120 : i32
      %lt3A_476 = arith.cmpi slt, %sub3A_474, %lt3A_475 : i32
      %convert_element_type3A_477 = arith.extui %lt3A_476 : i1 to i32
      %cond3A_478 = arith.constant 0 : i32
      %cond3A_479 = arith.cmpi ne, %convert_element_type3A_477, %cond3A_478 : i32
      scf.if %cond3A_479 {
        %add3A_645 = arith.constant 3 : i32
        %add3A_646 = arith.addi %add3A_465, %add3A_645 : i32
        %sub3A_647 = arith.constant 1 : i32
        %sub3A_648 = arith.subi %add3A_646, %sub3A_647 : i32
        %dma_start3A_649 = arith.constant 0 : i32
        %dma_start3A_650 = tpu.memref_slice %arg6[%sub3A_648, %dma_start3A_649] : memref<120x128xi32, #tpu.memory_space<vmem>> -> memref<1x128xi32, #tpu.memory_space<vmem>>
        %dma_start3A_651 = tpu.memref_squeeze %dma_start3A_650 : memref<1x128xi32, #tpu.memory_space<vmem>> -> memref<128xi32, #tpu.memory_space<vmem>>
        %dma_start3A_652 = arith.constant 0 : i32
        %dma_start3A_653 = arith.constant 0 : i32
        %dma_start3A_654 = tpu.memref_slice %arg3[%dma_start3A_652, %dma_start3A_653] : memref<100000x64xf32, #tpu.memory_space<hbm>> -> memref<100000x64xf32, #tpu.memory_space<hbm>>
        tpu.enqueue_indirect_dma source(%dma_start3A_654 : memref<100000x64xf32, #tpu.memory_space<hbm>>) target(%arg8 : memref<128x64xf32, #tpu.memory_space<vmem>>) offsets(%dma_start3A_651 : memref<128xi32, #tpu.memory_space<vmem>>) semaphore(%arg15 : memref<!tpu.dma_semaphore, #tpu.memory_space<semaphore_mem>>)
      } else {
      }
      %dma_wait3A_480 = arith.constant 0 : i32
      %dma_wait3A_481 = arith.constant 0 : i32
      %dma_wait3A_482 = tpu.memref_slice %arg3[%dma_wait3A_480, %dma_wait3A_481] : memref<100000x64xf32, #tpu.memory_space<hbm>> -> memref<128x64xf32, #tpu.memory_space<hbm>>
      %dma_wait3A_483 = arith.constant 0 : i32
      %dma_wait3A_484 = arith.constant 0 : i32
      %dma_wait3A_485 = tpu.memref_slice %arg3[%dma_wait3A_483, %dma_wait3A_484] : memref<100000x64xf32, #tpu.memory_space<hbm>> -> memref<128x64xf32, #tpu.memory_space<hbm>>
      tpu.wait_dma2 semaphore(%arg16 : memref<!tpu.dma_semaphore, #tpu.memory_space<semaphore_mem>>) src(%dma_wait3A_485 : memref<128x64xf32, #tpu.memory_space<hbm>>) dst(%arg9 : memref<128x64xf32, #tpu.memory_space<vmem>>)
      %add3A_486 = arith.addi %multiple_of3A, %add3A_465 : i32
      %jit3A_487 = arith.constant 8 : i32
      %div3A_488 = arith.divsi %add3A_486, %jit3A_487 : i32
      %sign3A_489 = arith.constant 0 : i32
      %sign3A_490 = arith.cmpi sgt, %add3A_486, %sign3A_489 : i32
      %sign3A_491 = arith.extui %sign3A_490 : i1 to i32
      %sign3A_492 = arith.constant 0 : i32
      %sign3A_493 = arith.cmpi slt, %add3A_486, %sign3A_492 : i32
      %sign3A_494 = arith.extui %sign3A_493 : i1 to i32
      %sign3A_495 = arith.subi %sign3A_491, %sign3A_494 : i32
      %sign3A_496 = arith.constant 0 : i32
      %sign3A_497 = arith.cmpi sgt, %jit3A_487, %sign3A_496 : i32
      %sign3A_498 = arith.extui %sign3A_497 : i1 to i32
      %sign3A_499 = arith.constant 0 : i32
      %sign3A_500 = arith.cmpi slt, %jit3A_487, %sign3A_499 : i32
      %sign3A_501 = arith.extui %sign3A_500 : i1 to i32
      %sign3A_502 = arith.subi %sign3A_498, %sign3A_501 : i32
      %ne3A_503 = arith.cmpi ne, %sign3A_495, %sign3A_502 : i32
      %rem3A_504 = arith.remsi %add3A_486, %jit3A_487 : i32
      %ne3A_505 = arith.constant 0 : i32
      %ne3A_506 = arith.cmpi ne, %rem3A_504, %ne3A_505 : i32
      %and3A_507 = arith.andi %ne3A_503, %ne3A_506 : i1
      %sub3A_508 = arith.constant 1 : i32
      %sub3A_509 = arith.subi %div3A_488, %sub3A_508 : i32
      %select_n3A_510 = arith.select %and3A_507, %sub3A_509, %div3A_488 : i32
      %jit3A_511 = arith.constant 24 : i32
      %eq3A_512 = arith.constant 0 : i32
      %eq3A_513 = arith.cmpi eq, %jit3A_511, %eq3A_512 : i32
      %jit3A_514 = arith.constant 1 : i32
      %select_n3A_515 = arith.select %eq3A_513, %jit3A_514, %jit3A_511 : i32
      %rem3A_516 = arith.remsi %select_n3A_510, %select_n3A_515 : i32
      %ne3A_517 = arith.constant 0 : i32
      %ne3A_518 = arith.cmpi ne, %rem3A_516, %ne3A_517 : i32
      %lt3A_519 = arith.constant 0 : i32
      %lt3A_520 = arith.cmpi slt, %rem3A_516, %lt3A_519 : i32
      %lt3A_521 = arith.constant 0 : i32
      %lt3A_522 = arith.cmpi slt, %select_n3A_515, %lt3A_521 : i32
      %ne3A_523 = arith.xori %lt3A_520, %lt3A_522 : i1
      %and3A_524 = arith.andi %ne3A_523, %ne3A_518 : i1
      %add3A_525 = arith.addi %rem3A_516, %select_n3A_515 : i32
      %select_n3A_526 = arith.select %and3A_524, %add3A_525, %rem3A_516 : i32
      %get3A_527 = arith.index_cast %select_n3A_526 : i32 to index
      %get3A_528 = arith.constant 0 : index
      %get3A_529 = tpu.vector_load %arg13[%get3A_527, %get3A_528] {strides = array<i32>} : memref<24x64xf32, #tpu.memory_space<vmem>>, vector<16xf32>,
      %get3A_530 = arith.index_cast %select_n3A_526 : i32 to index
      %get3A_531 = arith.constant 16 : index
      %get3A_532 = tpu.vector_load %arg13[%get3A_530, %get3A_531] {strides = array<i32>} : memref<24x64xf32, #tpu.memory_space<vmem>>, vector<16xf32>,
      %get3A_533 = arith.index_cast %select_n3A_526 : i32 to index
      %get3A_534 = arith.constant 32 : index
      %get3A_535 = tpu.vector_load %arg13[%get3A_533, %get3A_534] {strides = array<i32>} : memref<24x64xf32, #tpu.memory_space<vmem>>, vector<16xf32>,
      %get3A_536 = arith.index_cast %select_n3A_526 : i32 to index
      %get3A_537 = arith.constant 48 : index
      %get3A_538 = tpu.vector_load %arg13[%get3A_536, %get3A_537] {strides = array<i32>} : memref<24x64xf32, #tpu.memory_space<vmem>>, vector<16xf32>,
      %scan3A_539 = arith.constant 0 : i32
      %scan3A_540 = arith.constant 0 : i32
      %scan3A_541 = arith.constant 128 : i32
      %scan3A_542 = arith.addi %scan3A_540, %scan3A_541 : i32
      %scan3A_543 = arith.constant 4 : i32
      %scan3A_544 = scf.for %scan3A_645 = %scan3A_540 to %scan3A_542 step %scan3A_543 iter_args(%scan3A_646 = %scan3A_539) -> (i32)  : i32 {
        %broadcast_in_dim3A = vector.broadcast %scan3A_645 : i32 to vector<16xi32>
        %get3A_647 = arith.index_cast %scan3A_645 : i32 to index
        %get3A_648 = arith.constant 0 : index
        %get3A_649 = tpu.vector_load %arg9[%get3A_647, %get3A_648] {strides = array<i32>} : memref<128x64xf32, #tpu.memory_space<vmem>>, vector<16xf32>,
        %add3A_650 = arith.addf %get3A_649, %get3A_529 : vector<16xf32>
        tpu.vector_store_idx %arg12[%add3A_9, %and3A_4, %broadcast_in_dim3A], %add3A_650 : memref<8x8x129xf32, #tpu.memory_space<vmem>>[vector<16xi32>, vector<16xi32>, vector<16xi32>], vector<16xf32>,
        %get3A_651 = arith.index_cast %scan3A_645 : i32 to index
        %get3A_652 = arith.constant 16 : index
        %get3A_653 = tpu.vector_load %arg9[%get3A_651, %get3A_652] {strides = array<i32>} : memref<128x64xf32, #tpu.memory_space<vmem>>, vector<16xf32>,
        %add3A_654 = arith.addf %get3A_653, %get3A_532 : vector<16xf32>
        tpu.vector_store_idx %arg12[%add3A_15, %and3A_4, %broadcast_in_dim3A], %add3A_654 : memref<8x8x129xf32, #tpu.memory_space<vmem>>[vector<16xi32>, vector<16xi32>, vector<16xi32>], vector<16xf32>,
        %get3A_655 = arith.index_cast %scan3A_645 : i32 to index
        %get3A_656 = arith.constant 32 : index
        %get3A_657 = tpu.vector_load %arg9[%get3A_655, %get3A_656] {strides = array<i32>} : memref<128x64xf32, #tpu.memory_space<vmem>>, vector<16xf32>,
        %add3A_658 = arith.addf %get3A_657, %get3A_535 : vector<16xf32>
        tpu.vector_store_idx %arg12[%add3A_21, %and3A_4, %broadcast_in_dim3A], %add3A_658 : memref<8x8x129xf32, #tpu.memory_space<vmem>>[vector<16xi32>, vector<16xi32>, vector<16xi32>], vector<16xf32>,
        %get3A_659 = arith.index_cast %scan3A_645 : i32 to index
        %get3A_660 = arith.constant 48 : index
        %get3A_661 = tpu.vector_load %arg9[%get3A_659, %get3A_660] {strides = array<i32>} : memref<128x64xf32, #tpu.memory_space<vmem>>, vector<16xf32>,
        %add3A_662 = arith.addf %get3A_661, %get3A_538 : vector<16xf32>
        tpu.vector_store_idx %arg12[%add3A_27, %and3A_4, %broadcast_in_dim3A], %add3A_662 : memref<8x8x129xf32, #tpu.memory_space<vmem>>[vector<16xi32>, vector<16xi32>, vector<16xi32>], vector<16xf32>,
        %scan3A_663 = arith.constant 0 : i32
        %scan3A_664 = arith.constant 1 : i32
        %scan3A_665 = arith.addi %scan3A_645, %scan3A_664 : i32
        %broadcast_in_dim3A_666 = vector.broadcast %scan3A_665 : i32 to vector<16xi32>
        %get3A_667 = arith.index_cast %scan3A_665 : i32 to index
        %get3A_668 = arith.constant 0 : index
        %get3A_669 = tpu.vector_load %arg9[%get3A_667, %get3A_668] {strides = array<i32>} : memref<128x64xf32, #tpu.memory_space<vmem>>, vector<16xf32>,
        %add3A_670 = arith.addf %get3A_669, %get3A_529 : vector<16xf32>
        tpu.vector_store_idx %arg12[%add3A_9, %and3A_4, %broadcast_in_dim3A_666], %add3A_670 : memref<8x8x129xf32, #tpu.memory_space<vmem>>[vector<16xi32>, vector<16xi32>, vector<16xi32>], vector<16xf32>,
        %get3A_671 = arith.index_cast %scan3A_665 : i32 to index
        %get3A_672 = arith.constant 16 : index
        %get3A_673 = tpu.vector_load %arg9[%get3A_671, %get3A_672] {strides = array<i32>} : memref<128x64xf32, #tpu.memory_space<vmem>>, vector<16xf32>,
        %add3A_674 = arith.addf %get3A_673, %get3A_532 : vector<16xf32>
        tpu.vector_store_idx %arg12[%add3A_15, %and3A_4, %broadcast_in_dim3A_666], %add3A_674 : memref<8x8x129xf32, #tpu.memory_space<vmem>>[vector<16xi32>, vector<16xi32>, vector<16xi32>], vector<16xf32>,
        %get3A_675 = arith.index_cast %scan3A_665 : i32 to index
        %get3A_676 = arith.constant 32 : index
        %get3A_677 = tpu.vector_load %arg9[%get3A_675, %get3A_676] {strides = array<i32>} : memref<128x64xf32, #tpu.memory_space<vmem>>, vector<16xf32>,
        %add3A_678 = arith.addf %get3A_677, %get3A_535 : vector<16xf32>
        tpu.vector_store_idx %arg12[%add3A_21, %and3A_4, %broadcast_in_dim3A_666], %add3A_678 : memref<8x8x129xf32, #tpu.memory_space<vmem>>[vector<16xi32>, vector<16xi32>, vector<16xi32>], vector<16xf32>,
        %get3A_679 = arith.index_cast %scan3A_665 : i32 to index
        %get3A_680 = arith.constant 48 : index
        %get3A_681 = tpu.vector_load %arg9[%get3A_679, %get3A_680] {strides = array<i32>} : memref<128x64xf32, #tpu.memory_space<vmem>>, vector<16xf32>,
        %add3A_682 = arith.addf %get3A_681, %get3A_538 : vector<16xf32>
        tpu.vector_store_idx %arg12[%add3A_27, %and3A_4, %broadcast_in_dim3A_666], %add3A_682 : memref<8x8x129xf32, #tpu.memory_space<vmem>>[vector<16xi32>, vector<16xi32>, vector<16xi32>], vector<16xf32>,
        %scan3A_683 = arith.constant 0 : i32
        %scan3A_684 = arith.constant 2 : i32
        %scan3A_685 = arith.addi %scan3A_645, %scan3A_684 : i32
        %broadcast_in_dim3A_686 = vector.broadcast %scan3A_685 : i32 to vector<16xi32>
        %get3A_687 = arith.index_cast %scan3A_685 : i32 to index
        %get3A_688 = arith.constant 0 : index
        %get3A_689 = tpu.vector_load %arg9[%get3A_687, %get3A_688] {strides = array<i32>} : memref<128x64xf32, #tpu.memory_space<vmem>>, vector<16xf32>,
        %add3A_690 = arith.addf %get3A_689, %get3A_529 : vector<16xf32>
        tpu.vector_store_idx %arg12[%add3A_9, %and3A_4, %broadcast_in_dim3A_686], %add3A_690 : memref<8x8x129xf32, #tpu.memory_space<vmem>>[vector<16xi32>, vector<16xi32>, vector<16xi32>], vector<16xf32>,
        %get3A_691 = arith.index_cast %scan3A_685 : i32 to index
        %get3A_692 = arith.constant 16 : index
        %get3A_693 = tpu.vector_load %arg9[%get3A_691, %get3A_692] {strides = array<i32>} : memref<128x64xf32, #tpu.memory_space<vmem>>, vector<16xf32>,
        %add3A_694 = arith.addf %get3A_693, %get3A_532 : vector<16xf32>
        tpu.vector_store_idx %arg12[%add3A_15, %and3A_4, %broadcast_in_dim3A_686], %add3A_694 : memref<8x8x129xf32, #tpu.memory_space<vmem>>[vector<16xi32>, vector<16xi32>, vector<16xi32>], vector<16xf32>,
        %get3A_695 = arith.index_cast %scan3A_685 : i32 to index
        %get3A_696 = arith.constant 32 : index
        %get3A_697 = tpu.vector_load %arg9[%get3A_695, %get3A_696] {strides = array<i32>} : memref<128x64xf32, #tpu.memory_space<vmem>>, vector<16xf32>,
        %add3A_698 = arith.addf %get3A_697, %get3A_535 : vector<16xf32>
        tpu.vector_store_idx %arg12[%add3A_21, %and3A_4, %broadcast_in_dim3A_686], %add3A_698 : memref<8x8x129xf32, #tpu.memory_space<vmem>>[vector<16xi32>, vector<16xi32>, vector<16xi32>], vector<16xf32>,
        %get3A_699 = arith.index_cast %scan3A_685 : i32 to index
        %get3A_700 = arith.constant 48 : index
        %get3A_701 = tpu.vector_load %arg9[%get3A_699, %get3A_700] {strides = array<i32>} : memref<128x64xf32, #tpu.memory_space<vmem>>, vector<16xf32>,
        %add3A_702 = arith.addf %get3A_701, %get3A_538 : vector<16xf32>
        tpu.vector_store_idx %arg12[%add3A_27, %and3A_4, %broadcast_in_dim3A_686], %add3A_702 : memref<8x8x129xf32, #tpu.memory_space<vmem>>[vector<16xi32>, vector<16xi32>, vector<16xi32>], vector<16xf32>,
        %scan3A_703 = arith.constant 0 : i32
        %scan3A_704 = arith.constant 3 : i32
        %scan3A_705 = arith.addi %scan3A_645, %scan3A_704 : i32
        %broadcast_in_dim3A_706 = vector.broadcast %scan3A_705 : i32 to vector<16xi32>
        %get3A_707 = arith.index_cast %scan3A_705 : i32 to index
        %get3A_708 = arith.constant 0 : index
        %get3A_709 = tpu.vector_load %arg9[%get3A_707, %get3A_708] {strides = array<i32>} : memref<128x64xf32, #tpu.memory_space<vmem>>, vector<16xf32>,
        %add3A_710 = arith.addf %get3A_709, %get3A_529 : vector<16xf32>
        tpu.vector_store_idx %arg12[%add3A_9, %and3A_4, %broadcast_in_dim3A_706], %add3A_710 : memref<8x8x129xf32, #tpu.memory_space<vmem>>[vector<16xi32>, vector<16xi32>, vector<16xi32>], vector<16xf32>,
        %get3A_711 = arith.index_cast %scan3A_705 : i32 to index
        %get3A_712 = arith.constant 16 : index
        %get3A_713 = tpu.vector_load %arg9[%get3A_711, %get3A_712] {strides = array<i32>} : memref<128x64xf32, #tpu.memory_space<vmem>>, vector<16xf32>,
        %add3A_714 = arith.addf %get3A_713, %get3A_532 : vector<16xf32>
        tpu.vector_store_idx %arg12[%add3A_15, %and3A_4, %broadcast_in_dim3A_706], %add3A_714 : memref<8x8x129xf32, #tpu.memory_space<vmem>>[vector<16xi32>, vector<16xi32>, vector<16xi32>], vector<16xf32>,
        %get3A_715 = arith.index_cast %scan3A_705 : i32 to index
        %get3A_716 = arith.constant 32 : index
        %get3A_717 = tpu.vector_load %arg9[%get3A_715, %get3A_716] {strides = array<i32>} : memref<128x64xf32, #tpu.memory_space<vmem>>, vector<16xf32>,
        %add3A_718 = arith.addf %get3A_717, %get3A_535 : vector<16xf32>
        tpu.vector_store_idx %arg12[%add3A_21, %and3A_4, %broadcast_in_dim3A_706], %add3A_718 : memref<8x8x129xf32, #tpu.memory_space<vmem>>[vector<16xi32>, vector<16xi32>, vector<16xi32>], vector<16xf32>,
        %get3A_719 = arith.index_cast %scan3A_705 : i32 to index
        %get3A_720 = arith.constant 48 : index
        %get3A_721 = tpu.vector_load %arg9[%get3A_719, %get3A_720] {strides = array<i32>} : memref<128x64xf32, #tpu.memory_space<vmem>>, vector<16xf32>,
        %add3A_722 = arith.addf %get3A_721, %get3A_538 : vector<16xf32>
        tpu.vector_store_idx %arg12[%add3A_27, %and3A_4, %broadcast_in_dim3A_706], %add3A_722 : memref<8x8x129xf32, #tpu.memory_space<vmem>>[vector<16xi32>, vector<16xi32>, vector<16xi32>], vector<16xf32>,
        %scan3A_723 = arith.constant 0 : i32
        scf.yield %scan3A_723 : i32
      }
      %scan3A_545 = arith.constant 128 : i32
      %add3A_546 = arith.addi %multiple_of3A, %add3A_465 : i32
      %jit3A_547 = arith.constant 192 : i32
      %div3A_548 = arith.divsi %add3A_546, %jit3A_547 : i32
      %sign3A_549 = arith.constant 0 : i32
      %sign3A_550 = arith.cmpi sgt, %add3A_546, %sign3A_549 : i32
      %sign3A_551 = arith.extui %sign3A_550 : i1 to i32
      %sign3A_552 = arith.constant 0 : i32
      %sign3A_553 = arith.cmpi slt, %add3A_546, %sign3A_552 : i32
      %sign3A_554 = arith.extui %sign3A_553 : i1 to i32
      %sign3A_555 = arith.subi %sign3A_551, %sign3A_554 : i32
      %sign3A_556 = arith.constant 0 : i32
      %sign3A_557 = arith.cmpi sgt, %jit3A_547, %sign3A_556 : i32
      %sign3A_558 = arith.extui %sign3A_557 : i1 to i32
      %sign3A_559 = arith.constant 0 : i32
      %sign3A_560 = arith.cmpi slt, %jit3A_547, %sign3A_559 : i32
      %sign3A_561 = arith.extui %sign3A_560 : i1 to i32
      %sign3A_562 = arith.subi %sign3A_558, %sign3A_561 : i32
      %ne3A_563 = arith.cmpi ne, %sign3A_555, %sign3A_562 : i32
      %rem3A_564 = arith.remsi %add3A_546, %jit3A_547 : i32
      %ne3A_565 = arith.constant 0 : i32
      %ne3A_566 = arith.cmpi ne, %rem3A_564, %ne3A_565 : i32
      %and3A_567 = arith.andi %ne3A_563, %ne3A_566 : i1
      %sub3A_568 = arith.constant 1 : i32
      %sub3A_569 = arith.subi %div3A_548, %sub3A_568 : i32
      %select_n3A_570 = arith.select %and3A_567, %sub3A_569, %div3A_548 : i32
      %jit3A_571 = arith.constant 8 : i32
      %div3A_572 = arith.divsi %add3A_546, %jit3A_571 : i32
      %sign3A_573 = arith.constant 0 : i32
      %sign3A_574 = arith.cmpi sgt, %add3A_546, %sign3A_573 : i32
      %sign3A_575 = arith.extui %sign3A_574 : i1 to i32
      %sign3A_576 = arith.constant 0 : i32
      %sign3A_577 = arith.cmpi slt, %add3A_546, %sign3A_576 : i32
      %sign3A_578 = arith.extui %sign3A_577 : i1 to i32
      %sign3A_579 = arith.subi %sign3A_575, %sign3A_578 : i32
      %sign3A_580 = arith.constant 0 : i32
      %sign3A_581 = arith.cmpi sgt, %jit3A_571, %sign3A_580 : i32
      %sign3A_582 = arith.extui %sign3A_581 : i1 to i32
      %sign3A_583 = arith.constant 0 : i32
      %sign3A_584 = arith.cmpi slt, %jit3A_571, %sign3A_583 : i32
      %sign3A_585 = arith.extui %sign3A_584 : i1 to i32
      %sign3A_586 = arith.subi %sign3A_582, %sign3A_585 : i32
      %ne3A_587 = arith.cmpi ne, %sign3A_579, %sign3A_586 : i32
      %rem3A_588 = arith.remsi %add3A_546, %jit3A_571 : i32
      %ne3A_589 = arith.constant 0 : i32
      %ne3A_590 = arith.cmpi ne, %rem3A_588, %ne3A_589 : i32
      %and3A_591 = arith.andi %ne3A_587, %ne3A_590 : i1
      %sub3A_592 = arith.constant 1 : i32
      %sub3A_593 = arith.subi %div3A_572, %sub3A_592 : i32
      %select_n3A_594 = arith.select %and3A_591, %sub3A_593, %div3A_572 : i32
      %jit3A_595 = arith.constant 24 : i32
      %eq3A_596 = arith.constant 0 : i32
      %eq3A_597 = arith.cmpi eq, %jit3A_595, %eq3A_596 : i32
      %jit3A_598 = arith.constant 1 : i32
      %select_n3A_599 = arith.select %eq3A_597, %jit3A_598, %jit3A_595 : i32
      %rem3A_600 = arith.remsi %select_n3A_594, %select_n3A_599 : i32
      %ne3A_601 = arith.constant 0 : i32
      %ne3A_602 = arith.cmpi ne, %rem3A_600, %ne3A_601 : i32
      %lt3A_603 = arith.constant 0 : i32
      %lt3A_604 = arith.cmpi slt, %rem3A_600, %lt3A_603 : i32
      %lt3A_605 = arith.constant 0 : i32
      %lt3A_606 = arith.cmpi slt, %select_n3A_599, %lt3A_605 : i32
      %ne3A_607 = arith.xori %lt3A_604, %lt3A_606 : i1
      %and3A_608 = arith.andi %ne3A_607, %ne3A_602 : i1
      %add3A_609 = arith.addi %rem3A_600, %select_n3A_599 : i32
      %select_n3A_610 = arith.select %and3A_608, %add3A_609, %rem3A_600 : i32
      %jit3A_611 = arith.constant 8 : i32
      %eq3A_612 = arith.constant 0 : i32
      %eq3A_613 = arith.cmpi eq, %jit3A_611, %eq3A_612 : i32
      %jit3A_614 = arith.constant 1 : i32
      %select_n3A_615 = arith.select %eq3A_613, %jit3A_614, %jit3A_611 : i32
      %rem3A_616 = arith.remsi %add3A_546, %select_n3A_615 : i32
      %ne3A_617 = arith.constant 0 : i32
      %ne3A_618 = arith.cmpi ne, %rem3A_616, %ne3A_617 : i32
      %lt3A_619 = arith.constant 0 : i32
      %lt3A_620 = arith.cmpi slt, %rem3A_616, %lt3A_619 : i32
      %lt3A_621 = arith.constant 0 : i32
      %lt3A_622 = arith.cmpi slt, %select_n3A_615, %lt3A_621 : i32
      %ne3A_623 = arith.xori %lt3A_620, %lt3A_622 : i1
      %and3A_624 = arith.andi %ne3A_623, %ne3A_618 : i1
      %add3A_625 = arith.addi %rem3A_616, %select_n3A_615 : i32
      %select_n3A_626 = arith.select %and3A_624, %add3A_625, %rem3A_616 : i32
      %dma_start3A_627 = arith.constant 0 : i32
      %dma_start3A_628 = arith.constant 0 : i32
      %dma_start3A_629 = arith.constant 0 : i32
      %dma_start3A_630 = tpu.memref_slice %arg12[%dma_start3A_627, %dma_start3A_628, %dma_start3A_629] : memref<8x8x129xf32, #tpu.memory_space<vmem>> -> memref<8x8x128xf32, #tpu.memory_space<vmem>>
      %dma_start3A_631 = arith.constant 0 : i32
      %dma_start3A_632 = arith.constant 0 : i32
      %dma_start3A_633 = arith.constant 0 : i32
      %dma_start3A_634 = tpu.memref_slice %arg5[%select_n3A_570, %select_n3A_610, %dma_start3A_631, %select_n3A_626, %dma_start3A_632, %dma_start3A_633] : memref<20x24x8x8x8x128xf32, #tpu.memory_space<hbm>> -> memref<1x1x8x1x8x128xf32, #tpu.memory_space<hbm>>
      %dma_start3A_635 = tpu.memref_squeeze %dma_start3A_634 : memref<1x1x8x1x8x128xf32, #tpu.memory_space<hbm>> -> memref<8x8x128xf32, #tpu.memory_space<hbm>>
      %dma_start3A_636 = arith.constant 0 : i32
      %dma_start3A_637 = arith.constant 0 : i32
      %dma_start3A_638 = arith.constant 0 : i32
      %dma_start3A_639 = tpu.memref_slice %arg5[%select_n3A_570, %select_n3A_610, %dma_start3A_636, %select_n3A_626, %dma_start3A_637, %dma_start3A_638] : memref<20x24x8x8x8x128xf32, #tpu.memory_space<hbm>> -> memref<1x1x8x1x8x128xf32, #tpu.memory_space<hbm>>
      %dma_start3A_640 = tpu.memref_squeeze %dma_start3A_639 : memref<1x1x8x1x8x128xf32, #tpu.memory_space<hbm>> -> memref<8x8x128xf32, #tpu.memory_space<hbm>>
      %dma_start3A_641 = arith.constant 0 : i32
      %dma_start3A_642 = arith.constant 0 : i32
      %dma_start3A_643 = arith.constant 0 : i32
      %dma_start3A_644 = tpu.memref_slice %arg12[%dma_start3A_641, %dma_start3A_642, %dma_start3A_643] : memref<8x8x129xf32, #tpu.memory_space<vmem>> -> memref<8x8x128xf32, #tpu.memory_space<vmem>>
      tpu.enqueue_dma source(%dma_start3A_644 : memref<8x8x128xf32, #tpu.memory_space<vmem>>) target(%dma_start3A_640 : memref<8x8x128xf32, #tpu.memory_space<hbm>>) target_semaphore(%arg19 : memref<!tpu.dma_semaphore, #tpu.memory_space<semaphore_mem>>)
    }
    %scan3A_45 = arith.constant 40 : i32
    %dma_wait3A = arith.constant 0 : i32
    %dma_wait3A_46 = arith.constant 0 : i32
    %dma_wait3A_47 = arith.constant 0 : i32
    %dma_wait3A_48 = arith.constant 0 : i32
    %dma_wait3A_49 = arith.constant 0 : i32
    %dma_wait3A_50 = arith.constant 0 : i32
    %dma_wait3A_51 = tpu.memref_slice %arg10[%dma_wait3A_48, %dma_wait3A_49, %dma_wait3A_50] : memref<8x8x129xf32, #tpu.memory_space<vmem>> -> memref<8x8x128xf32, #tpu.memory_space<vmem>>
    %dma_wait3A_52 = arith.constant 0 : i32
    %dma_wait3A_53 = arith.constant 0 : i32
    %dma_wait3A_54 = arith.constant 0 : i32
    %dma_wait3A_55 = tpu.memref_slice %arg5[%dma_wait3A, %dma_wait3A_46, %dma_wait3A_52, %dma_wait3A_47, %dma_wait3A_53, %dma_wait3A_54] : memref<20x24x8x8x8x128xf32, #tpu.memory_space<hbm>> -> memref<1x1x8x1x8x128xf32, #tpu.memory_space<hbm>>
    %dma_wait3A_56 = tpu.memref_squeeze %dma_wait3A_55 : memref<1x1x8x1x8x128xf32, #tpu.memory_space<hbm>> -> memref<8x8x128xf32, #tpu.memory_space<hbm>>
    %dma_wait3A_57 = arith.constant 0 : i32
    %dma_wait3A_58 = arith.constant 0 : i32
    %dma_wait3A_59 = arith.constant 0 : i32
    %dma_wait3A_60 = tpu.memref_slice %arg10[%dma_wait3A_57, %dma_wait3A_58, %dma_wait3A_59] : memref<8x8x129xf32, #tpu.memory_space<vmem>> -> memref<8x8x128xf32, #tpu.memory_space<vmem>>
    %dma_wait3A_61 = arith.constant 0 : i32
    %dma_wait3A_62 = arith.constant 0 : i32
    %dma_wait3A_63 = arith.constant 0 : i32
    %dma_wait3A_64 = tpu.memref_slice %arg5[%dma_wait3A, %dma_wait3A_46, %dma_wait3A_61, %dma_wait3A_47, %dma_wait3A_62, %dma_wait3A_63] : memref<20x24x8x8x8x128xf32, #tpu.memory_space<hbm>> -> memref<1x1x8x1x8x128xf32, #tpu.memory_space<hbm>>
    %dma_wait3A_65 = tpu.memref_squeeze %dma_wait3A_64 : memref<1x1x8x1x8x128xf32, #tpu.memory_space<hbm>> -> memref<8x8x128xf32, #tpu.memory_space<hbm>>
    tpu.wait_dma2 semaphore(%arg17 : memref<!tpu.dma_semaphore, #tpu.memory_space<semaphore_mem>>) src(%dma_wait3A_65 : memref<8x8x128xf32, #tpu.memory_space<hbm>>) dst(%dma_wait3A_60 : memref<8x8x128xf32, #tpu.memory_space<vmem>>)
    %dma_wait3A_66 = arith.constant 0 : i32
    %dma_wait3A_67 = arith.constant 0 : i32
    %dma_wait3A_68 = arith.constant 0 : i32
    %dma_wait3A_69 = arith.constant 0 : i32
    %dma_wait3A_70 = arith.constant 0 : i32
    %dma_wait3A_71 = arith.constant 0 : i32
    %dma_wait3A_72 = tpu.memref_slice %arg11[%dma_wait3A_69, %dma_wait3A_70, %dma_wait3A_71] : memref<8x8x129xf32, #tpu.memory_space<vmem>> -> memref<8x8x128xf32, #tpu.memory_space<vmem>>
    %dma_wait3A_73 = arith.constant 0 : i32
    %dma_wait3A_74 = arith.constant 0 : i32
    %dma_wait3A_75 = arith.constant 0 : i32
    %dma_wait3A_76 = tpu.memref_slice %arg5[%dma_wait3A_66, %dma_wait3A_67, %dma_wait3A_73, %dma_wait3A_68, %dma_wait3A_74, %dma_wait3A_75] : memref<20x24x8x8x8x128xf32, #tpu.memory_space<hbm>> -> memref<1x1x8x1x8x128xf32, #tpu.memory_space<hbm>>
    %dma_wait3A_77 = tpu.memref_squeeze %dma_wait3A_76 : memref<1x1x8x1x8x128xf32, #tpu.memory_space<hbm>> -> memref<8x8x128xf32, #tpu.memory_space<hbm>>
    %dma_wait3A_78 = arith.constant 0 : i32
    %dma_wait3A_79 = arith.constant 0 : i32
    %dma_wait3A_80 = arith.constant 0 : i32
    %dma_wait3A_81 = tpu.memref_slice %arg11[%dma_wait3A_78, %dma_wait3A_79, %dma_wait3A_80] : memref<8x8x129xf32, #tpu.memory_space<vmem>> -> memref<8x8x128xf32, #tpu.memory_space<vmem>>
    %dma_wait3A_82 = arith.constant 0 : i32
    %dma_wait3A_83 = arith.constant 0 : i32
    %dma_wait3A_84 = arith.constant 0 : i32
    %dma_wait3A_85 = tpu.memref_slice %arg5[%dma_wait3A_66, %dma_wait3A_67, %dma_wait3A_82, %dma_wait3A_68, %dma_wait3A_83, %dma_wait3A_84] : memref<20x24x8x8x8x128xf32, #tpu.memory_space<hbm>> -> memref<1x1x8x1x8x128xf32, #tpu.memory_space<hbm>>
    %dma_wait3A_86 = tpu.memref_squeeze %dma_wait3A_85 : memref<1x1x8x1x8x128xf32, #tpu.memory_space<hbm>> -> memref<8x8x128xf32, #tpu.memory_space<hbm>>
    tpu.wait_dma2 semaphore(%arg18 : memref<!tpu.dma_semaphore, #tpu.memory_space<semaphore_mem>>) src(%dma_wait3A_86 : memref<8x8x128xf32, #tpu.memory_space<hbm>>) dst(%dma_wait3A_81 : memref<8x8x128xf32, #tpu.memory_space<vmem>>)
    %dma_wait3A_87 = arith.constant 0 : i32
    %dma_wait3A_88 = arith.constant 0 : i32
    %dma_wait3A_89 = arith.constant 0 : i32
    %dma_wait3A_90 = arith.constant 0 : i32
    %dma_wait3A_91 = arith.constant 0 : i32
    %dma_wait3A_92 = arith.constant 0 : i32
    %dma_wait3A_93 = tpu.memref_slice %arg12[%dma_wait3A_90, %dma_wait3A_91, %dma_wait3A_92] : memref<8x8x129xf32, #tpu.memory_space<vmem>> -> memref<8x8x128xf32, #tpu.memory_space<vmem>>
    %dma_wait3A_94 = arith.constant 0 : i32
    %dma_wait3A_95 = arith.constant 0 : i32
    %dma_wait3A_96 = arith.constant 0 : i32
    %dma_wait3A_97 = tpu.memref_slice %arg5[%dma_wait3A_87, %dma_wait3A_88, %dma_wait3A_94, %dma_wait3A_89, %dma_wait3A_95, %dma_wait3A_96] : memref<20x24x8x8x8x128xf32, #tpu.memory_space<hbm>> -> memref<1x1x8x1x8x128xf32, #tpu.memory_space<hbm>>
    %dma_wait3A_98 = tpu.memref_squeeze %dma_wait3A_97 : memref<1x1x8x1x8x128xf32, #tpu.memory_space<hbm>> -> memref<8x8x128xf32, #tpu.memory_space<hbm>>
    %dma_wait3A_99 = arith.constant 0 : i32
    %dma_wait3A_100 = arith.constant 0 : i32
    %dma_wait3A_101 = arith.constant 0 : i32
    %dma_wait3A_102 = tpu.memref_slice %arg12[%dma_wait3A_99, %dma_wait3A_100, %dma_wait3A_101] : memref<8x8x129xf32, #tpu.memory_space<vmem>> -> memref<8x8x128xf32, #tpu.memory_space<vmem>>
    %dma_wait3A_103 = arith.constant 0 : i32
    %dma_wait3A_104 = arith.constant 0 : i32
    %dma_wait3A_105 = arith.constant 0 : i32
    %dma_wait3A_106 = tpu.memref_slice %arg5[%dma_wait3A_87, %dma_wait3A_88, %dma_wait3A_103, %dma_wait3A_89, %dma_wait3A_104, %dma_wait3A_105] : memref<20x24x8x8x8x128xf32, #tpu.memory_space<hbm>> -> memref<1x1x8x1x8x128xf32, #tpu.memory_space<hbm>>
    %dma_wait3A_107 = tpu.memref_squeeze %dma_wait3A_106 : memref<1x1x8x1x8x128xf32, #tpu.memory_space<hbm>> -> memref<8x8x128xf32, #tpu.memory_space<hbm>>
    tpu.wait_dma2 semaphore(%arg19 : memref<!tpu.dma_semaphore, #tpu.memory_space<semaphore_mem>>) src(%dma_wait3A_107 : memref<8x8x128xf32, #tpu.memory_space<hbm>>) dst(%dma_wait3A_102 : memref<8x8x128xf32, #tpu.memory_space<vmem>>)
    return
  }
}

</mosaic_0001>

<sc_bundles>
// kernel: kernel.3.cloned.1.call-start
scs
__scs_entry_jumppad:
0x0: {  	(pc) =	sbr.rel $0x88, $3  }
0x1: {  	(tag) =	ssettag $0x0;
	lr =	simm.s32 $0x1  }
0x2: {  	[smem:$0x3F9E] =	sst lr;
	_ =	strace $0xD0000000  }
0x3: {  	_ = 	snop  }
0x4: {  	_ = 	snop  }
0x5: {  	_ = 	snop  }
0x6: {  	_ = 	snop  }
0x7: {  	_ = 	snop  }
__scs_overlays_trampoline_lowered:
0x8: {  	[smem:$0x3FAD] =	sst s0  }
0x9: {  	[smem:$0x3FAE] =	sst s1  }
0xa: {  	[smem:$0x3FAF] =	sst s2  }
0xb: {  	[smem:$0x3FB0] =	sst s3  }
0xc: {  	[smem:$0x3FB1] =	sst s4  }
0xd: {  	[smem:$0x3FB2] =	sst s5  }
0xe: {  	[smem:$0x3FB3] =	sst s6  }
0xf: {  	[smem:$0x3FB4] =	sst s7  }
0x10: {  	[smem:$0x3FB5] =	sst s8  }
0x11: {  	[smem:$0x3FB6] =	sst s9;
	s0 =	simm.s32 @!p0 $0x0  }
0x12: {  	s1 =	sld [smem:$0x3F9C];
	s0 =	simm.s32 @p0 $0x1  }
0x13: {  	[smem:$0x3FB7] =	sst s0;
	s0 =	simm.s32 @!p1 $0x0  }
0x14: {  	s2 =	sld [smem:$0x3F9B];
	s0 =	simm.s32 @p1 $0x1  }
0x15: {  	[smem:$0x3FB8] =	sst s0;
	s0 =	simm.s32 @!p2 $0x0  }
0x16: {  	s3 =	sld [smem:$0x3FDB];
	s0 =	simm.s32 @p2 $0x1  }
0x17: {  	s4 =	simm.s32 $0x1BF5;
	[smem:$0x3FBA] =	sst s0  }
0x18: {  	s0 =	sld [smem:$0x3F9D];
	_ =	swait.ge [sflag:s4], $0x0  }
0x19: {  	s7 =	sld [smem:$0x3F9E]  }
0x1a: {  	s8 =	sadd.s32 $0xFFFFE003, lr  }
0x1b: {  	s9 =	sadd.s32 $0xFFFFFEF7, lr;
	s5 =	simm.s32 $0xFFFFFFFF;
	p2 =	slt.u32 s8, $0xFFFFF086  }
0x1c: {  	p1 =	slt.u32 s9, $0xF7A;
	s5 =	simm.s32 @!p2 $0x0  }
0x1d: {  	s5 =	simm.s32 @p1 $0x1;
	p0 =	seq.s32 s7, s2  }
0x1e: {  	s7 =	smul.u32 @!p0 $0xF7A, s2;
	p2 =	seq.s32 @!p0 s5, $0x0  }
0x1f: {  	s9 =	smul.u32 $0xF7A, s1;
	s8 =	simm.s32 @!p0 $0x1BF5;
	p2 =	por !p2, p0  }
0x20: {  	[sflag:s8] =	ssyncset.s32 @!p0 $0xFFFFF086;
	s6 =	sadd.s32 @!p0 s3, s7;
	s7 =	simm.s32 @!p0 $0x108  }
0x21: {  	s3 =	sadd.s32 s3, s9;
	s6 =	sadd.s32 @!p0 $0x88, s6;
	s7 =	simm.s32 @p2 $0x1082  }
0x22: {  	[simem:s7], [sflag:s8] =	dma.local @!p0 [hbm:s6], $0xF7A  }
0x23: {  	s9 =	sor.u32 $0xD0000000, s2;
	s6 =	simm.s32 $0x108;
	_ =	swait.ge @!p0 [sflag:s8], $0x0  }
0x24: {  	s3 =	sadd.s32 $0x88, s3;
	s6 =	simm.s32 @!p1 $0x1082;
	[sflag:s4] =	ssyncset.s32 $0xFFFFF086  }
0x25: {  	[simem:s6], [sflag:s4] =	dma.local [hbm:s3], $0xF7A  }
0x26: {  	[smem:$0x3F9E] =	sst s1;
	(tag) =	ssettag s2;
	_ =	strace s9  }
0x27: {  	s1 =	sld [smem:$0x3FAE]  }
0x28: {  	s2 =	sld [smem:$0x3FAF]  }
0x29: {  	s4 =	sld [smem:$0x3FB1]  }
0x2a: {  	p0 =	seq.s32 s5, $0x0;
	s5 =	sld [smem:$0x3FB2]  }
0x2b: {  	s6 =	sld [smem:$0x3FB3]  }
0x2c: {  	s7 =	sld [smem:$0x3FB4]  }
0x2d: {  	s3 =	simm.s32 $0x108;
	s8 =	sld [smem:$0x3FB5]  }
0x2e: {  	s3 =	simm.s32 @!p0 $0x1082;
	s9 =	sld [smem:$0x3FB6]  }
0x2f: {  	lr =	sadd.s32 s0, s3;
	s0 =	sld [smem:$0x3FAD]  }
0x30: {  	s3 =	sld [smem:$0x3FB0]  }
0x31: {  	[smem:$0x3FB9] =	sst s10  }
0x32: {  	s10 =	sld [smem:$0x3FB7];
	_ =	sdelay $0x3  }
0x33: {  	p0 =	seq.s32 s10, $0x1;
	s10 =	sld [smem:$0x3FB9];
	_ =	sdelay $0x3  }
0x34: {  	[smem:$0x3FB9] =	sst s10  }
0x35: {  	s10 =	sld [smem:$0x3FB8];
	_ =	sdelay $0x3  }
0x36: {  	p1 =	seq.s32 s10, $0x1;
	s10 =	sld [smem:$0x3FB9];
	_ =	sdelay $0x3  }
0x37: {  	[smem:$0x3FB9] =	sst s10  }
0x38: {  	s10 =	sld [smem:$0x3FBA]  }
0x39: {  	_ = 	snop;
	(pc) =	sbr.ind lr, $3  }
0x3a: {  	_ = 	snop  }
0x3b: {  	_ = 	snop  }
0x3c: {  	p2 =	seq.s32 s10, $0x1;
	s10 =	sld [smem:$0x3FB9]  }
0x3d: {  	_ =	shalt  }
0x3e: {  	_ =	shalt  }
0x3f: {  	_ =	shalt  }
0x40: {  	_ =	shalt  }
0x41: {  	_ =	shalt  }
0x42: {  	_ =	shalt  }
0x43: {  	_ =	shalt  }
0x44: {  	_ =	shalt  }
0x45: {  	_ =	shalt  }
0x46: {  	_ =	shalt  }
0x47: {  	_ =	shalt  }
0x48: {  	_ =	shalt  }
0x49: {  	_ =	shalt  }
0x4a: {  	_ =	shalt  }
0x4b: {  	_ =	shalt  }
0x4c: {  	_ =	shalt  }
0x4d: {  	_ =	shalt  }
0x4e: {  	_ =	shalt  }
0x4f: {  	_ =	shalt  }
0x50: {  	_ =	shalt  }
0x51: {  	_ =	shalt  }
0x52: {  	_ =	shalt  }
0x53: {  	_ =	shalt  }
0x54: {  	_ =	shalt  }
0x55: {  	_ =	shalt  }
0x56: {  	_ =	shalt  }
0x57: {  	_ =	shalt  }
0x58: {  	_ =	shalt  }
0x59: {  	_ =	shalt  }
0x5a: {  	_ =	shalt  }
0x5b: {  	_ =	shalt  }
0x5c: {  	_ =	shalt  }
0x5d: {  	_ =	shalt  }
0x5e: {  	_ =	shalt  }
0x5f: {  	_ =	shalt  }
0x60: {  	_ =	shalt  }
0x61: {  	_ =	shalt  }
0x62: {  	_ =	shalt  }
0x63: {  	_ =	shalt  }
0x64: {  	_ =	shalt  }
0x65: {  	_ =	shalt  }
0x66: {  	_ =	shalt  }
0x67: {  	_ =	shalt  }
0x68: {  	_ =	shalt  }
0x69: {  	_ =	shalt  }
0x6a: {  	_ =	shalt  }
0x6b: {  	_ =	shalt  }
0x6c: {  	_ =	shalt  }
0x6d: {  	_ =	shalt  }
0x6e: {  	_ =	shalt  }
0x6f: {  	_ =	shalt  }
0x70: {  	_ =	shalt  }
0x71: {  	_ =	shalt  }
0x72: {  	_ =	shalt  }
0x73: {  	_ =	shalt  }
0x74: {  	_ =	shalt  }
0x75: {  	_ =	shalt  }
0x76: {  	_ =	shalt  }
0x77: {  	_ =	shalt  }
0x78: {  	_ =	shalt  }
0x79: {  	_ =	shalt  }
0x7a: {  	_ =	shalt  }
0x7b: {  	_ =	shalt  }
0x7c: {  	_ =	shalt  }
0x7d: {  	_ =	shalt  }
0x7e: {  	_ =	shalt  }
0x7f: {  	_ =	shalt  }
0x80: {  	_ =	shalt  }
0x81: {  	_ =	shalt  }
0x82: {  	_ =	shalt  }
0x83: {  	_ =	shalt  }
0x84: {  	_ =	shalt  }
0x85: {  	_ =	shalt  }
0x86: {  	_ =	shalt  }
0x87: {  	_ =	shalt  }
.Lfunc_end0:
.L_simem_size_0:
called_computation_lowered:
.L_overlay_start_0:
0x88: {  	s2 =	sld [smem:$0x3FD9]  }
0x89: {  	s3 =	sld [smem:$0x3FFE];
	_ =	sdelay $0x1  }
0x8a: {  	s1 =	srdreg.scid  }
0x8b: {  	s0 =	sand.u32 $0x1, s1  }
0x8c: {  	s17 =	sshll.u32 s0, $0xA;
	s2 =	sadd.s32 s3, s2  }
0x8d: {  	s2 =	sadd.s32 s2, s17  }
0x8e: {  	[smem:$0x3FC5] =	sst s2  }
0x8f: {  	_ = 	snop  }
0x90: {  	s2 =	sld [smem:$0x3FD0];
	(tm) =	ssettm $0x1  }
0x91: {  	s18 =	sld [smem:$0x3FFB];
	_ =	sdelay $0x3  }
0x92: {  	_ =	strace s18  }
0x93: {  	s3 =	sld [smem:$0x3FFC];
	_ =	sdelay $0x3  }
0x94: {  	_ =	strace s3  }
0x95: {  	s3 =	sld [smem:$0x3FFD];
	_ =	sdelay $0x3  }
0x96: {  	_ =	strace s3  }
0x97: {  	_ =	strace $0x8FFFFFFF  }
0x98: {  	s19 =	sld [smem:$0x3FDB];
	_ =	sdelay $0x1  }
0x99: {  	s4 =	simm.s32 $_scs_section_size  }
0x9a: {  	s5 =	simm.s32 $_size__tile_overlayer_lowered;
	s6 =	simm.s32 $_tile_overlayer_lowered  }
0x9b: {  	s22 =	simm.s32 $0x1BFF;
	s21 =	sshll.u32 s6, $0x1;
	s3 =	sadd.s32 s4, s19  }
0x9c: {  	s7 =	simm.s32 $0x0;
	s20 =	sshll.u32 s5, $0x1;
	s5 =	sadd.s32 s21, s3  }
0x9d: {  	[timem:s7], [sflag:s22] =	dma.local [hbm:s5], s20  }
0x9e: {  	_ =	swait.ge [sflag:s22], s20  }
0x9f: {  	s4 =	ssub.s32 $0x0, s20;
	[sflag:s22] =	ssyncset.done $0x0  }
0xa0: {  	[sflag:s22] =	ssyncadd.s32 s4;
	_ =	sdelay $0x1  }
0xa1: {  	s23 =	simm.s32 $0x1B8B  }
0xa2: {  	_ =	swait.ge [sflag:s23], $0x1  }
0xa3: {  	[sflag:s23] =	ssyncset.done $0x0  }
0xa4: {  	s25 =	simm.s32 $0x1B8E;
	s24 =	sld [smem:$0x3FFE];
	[sflag:s23] =	ssyncadd.s32 $0xFFFFFFFF  }
0xa5: {  	s26 =	simm.s32 $execute0_lowered;
	[smem:$0x3FD2] =	sst s25  }
0xa6: {  	s5 =	sshll.u32 s26, $0x1;
	_ =	strace $0x80000046;
	[dreg:$0x1] =	wrdreg $0xFFFFFFFF  }
0xa7: {  	s28 =	simm.s32 $_size_execute0_lowered;
	s3 =	sadd.s32 s3, s5;
	[dreg:$0x0] =	wrdreg $0x0  }
0xa8: {  	s5 =	sshll.u32 s28, $0x1;
	[dreg:$0x2] =	wrdreg s3  }
0xa9: {  	[dreg:$0x3] =	wrdreg s5  }
0xaa: {  	[dreg:$0x4] =	wrdreg $0xC0  }
0xab: {  	_ =	task [dreg:s7], $0x5FFFF  }
0xac: {  	[dreg:$0x1] =	wrdreg $0xFFFFFFFF  }
0xad: {  	[dreg:$0x0] =	wrdreg $0x60  }
0xae: {  	[dreg:$0x2] =	wrdreg s24  }
0xaf: {  	[dreg:$0x3] =	wrdreg s2  }
0xb0: {  	[dreg:$0x4] =	wrdreg $0x9  }
0xb1: {  	_ =	task.clear_ibuf [dreg:s7], $0x5FFFF;
	_ =	strace $0x90000046  }
0xb2: {  	s29 =	simm.s32 $0x9;
	_ =	strace $0x80000048  }
0xb3: {  	_ =	swait.ge [sflag:s29], $0x1  }
0xb4: {  	[sflag:s29] =	ssyncadd.s32 $0xFFFFFFFF  }
0xb5: {  	_ =	strace $0x90000048  }
0xb6: {  	_ =	sfence  }
0xb7: {  	s30 =	sld [smem:$0x0];
	_ =	sdelay $0x2  }
0xb8: {  	s31 =	sshll.u32 s1, $0xD;
	s1 =	sshrl.u32 s1, $0x2  }
0xb9: {  	s3 =	sand.u32 $0x4000, s31;
	s1 =	sadd.s32 s1, s30  }
0xba: {  	s0 =	sor.u32 s3, s0;
	s1 =	sshll.u32 s1, $0x11  }
0xbb: {  	s0 =	sor.u32 s1, s0  }
0xbc: {  	s0 =	sadd.s32 $0x8F2B, s0  }
0xbd: {  	[sflag:s0] =	ssyncadd.remote.s32 $0x1  }
0xbe: {  	_ =	sfence.sel $0xFFFF  }
0xbf: {  	[dreg:$0x0] =	wrdreg $0xFFFFFFFF;
	(pc) =	sbr.abs _section_cstart, $3  }
0xc0: {  	[dreg:$0x1] =	wrdreg $0xFFFFFFFF  }
0xc1: {  	_ =	task.clear_ibuf [dreg:s7], $0x2FFFF;
	_ =	strace $0x9FFFFFFF  }
0xc2: {  	(tm) =	ssettm $0x7FFFFFFF  }
0xc3: {  	_ =	shalt  }
tec
execute0_lowered:
.L_overlay_start_1:
0x0: {  	(tag) =	ssettag $0x1  }
0x1: {  	s0 =	rddreg [dreg:$0x0]  }
0x2: {  	s1 =	srdreg.scid;
	s3 =	stileid.u32  }
0x3: {  	s2 =	rddreg [dreg:$0x1];
	s10 =	simm.s32 $0x7;
	s11 =	simm.s32 $0x80  }
0x4: {  	s12 =	simm.s32 $0x3C00;
	s13 =	simm.s32 $0x5C00;
	s14 =	simm.s32 $0x7C00  }
0x5: {  	s15 =	simm.s32 $0x1;
	s16 =	simm.s32 $0x9C00;
	s17 =	simm.s32 $0x2  }
0x6: {  	s18 =	simm.s32 $0xBE00;
	s19 =	simm.s32 $0x3;
	s20 =	simm.s32 $0xE000  }
0x7: {  	s21 =	simm.s32 $0x4;
	s22 =	simm.s32 $0x5;
	s23 =	simm.s32 $0x6  }
0x8: {  	s24 =	simm.s32 $0x0;
	s1 =	sand.u32 $0x1, s1;
	s4 =	sshll.u32 s3, $0x1  }
0x9: {  	s3 =	simm.s32 $0x0;
	s6 =	sor.u32 s1, s4;
	s1 =	ssub.s32 $0x2, s1  }
0xa: {  	v0 =	vlaneseq.u32;
	[smem:$0x7FF] =	sst s3;
	s4 =	smul.u32 $0x780, s6;
	s8 =	sshrl.u32 s1, $0x1  }
0xb: {  	v0 =	vmul.u32 $0x88, v0;
	_ =	strace $0x80000047;
	s6 =	smul.u32 $0x78, s6;
	s31 =	ssub.s32 s1, s8  }
0xc: {  	s7 =	sadd.s32 s4, s0;
	s4 =	sadd.s32 $0xF800, s0;
	s0 =	sadd.s32 $0x400, s0  }
0xd: {  	v1 =	vadd.s32 $0x880, v0;
	v2 =	vadd.s32 $0x1100, v0;
	v3 =	vadd.s32 $0x1980, v0;
	s8 =	smax.u32 s31, $0x1;
	[dreg:$0x3] =	wrdreg s0;
	s7 =	sadd.s32 $0x800, s7  }
.LBB2_1:
0xe: {  	s0 =	rddreg [dreg:$0x3];
	s1 =	simm.s32 $0x10200  }
0xf: {  	[tilespmem:s1], [sflag:$0x7] =	stream.linear.gather [hbm4b:s0+s3], $0x600, $0x38;
	[tilespmem:$0x10800] =	vst v63  }
0x10: {  	_ =	swait.ge [sflag:s10], $0x600  }
0x11: {  	[sflag:s10] =	ssyncset.done $0x0  }
0x12: {  	[sflag:s10] =	ssyncadd.s32 $0xFFFFFA00  }
0x13: {  	[tilespmem:s3], [sflag:$0x7] =	stream.linear.gather [hbm4b:s7+s3], $0x3C00, $0x38;
	[tilespmem:$0x10800] =	vst v63  }
0x14: {  	_ =	swait.ge [sflag:s10], $0x3C00  }
0x15: {  	[sflag:s10] =	ssyncset.done $0x0  }
0x16: {  	[sflag:s10] =	ssyncadd.s32 $0xFFFFC400  }
0x17: {  	[tilespmem:s12], [sflag:$0x1] =	stream.indirect.gather [hbm4b:s4+s11], $0x40, s3, s11, $0xb8;
	[tilespmem:$0x10800] =	vst v63  }
0x18: {  	s25 =	simm.s32 $0x0  }
0x19: {  	[tilespmem:s13], [sflag:$0x2] =	stream.indirect.gather [hbm4b:s4+s11], $0x40, s11, s11, $0xb8;
	[tilespmem:$0x10800] =	vst v63  }
.LBB2_2:
0x1a: {  	s28 =	smul.u32 $0x3, s25;
	_ =	sdelay $0x1  }
0x1b: {  	s29 =	sadd.s32 s6, s28;
	s0 =	sand.u32 $0x7, s28  }
0x1c: {  	p0 =	seq.s32 s29, $0x0;
	p1 =	sne.s32 s0, $0x0  }
0x1d: {  	p0 =	por !p0, !p1  }
0x1e: {  	s0 =	simm.s32 $0x1;
	p0 =	por !p0, !p0  }
0x1f: {  	s1 =	sshrl.u32 s29, $0x3;
	s0 =	simm.s32 @!p0 $0x0  }
0x20: {  	s0 =	ssub.s32 s1, s0  }
0x21: {  	s1 =	smulhi.u32 $0x2AAAAAAB, s0;
	s26 =	sshra.s32 s0, $0x1F  }
0x22: {  	p0 =	seq.s32 s25, $0x0;
	s26 =	smul.u32 $0x2AAAAAAB, s26  }
0x23: {  	s30 =	simm.s32 @!p0 $0x4  }
0x24: {  	_ =	swait.ge @!p0 [sflag:s30], $0x2000;
	s1 =	sadd.s32 s26, s1  }
0x25: {  	s26 =	sadd.s32 $0x2, s28;
	s31 =	sshrl.u32 s1, $0x1F;
	s1 =	sshrl.u32 s1, $0x2  }
0x26: {  	[sflag:s30] =	ssyncset.done @!p0 $0x0;
	s1 =	sadd.s32 s31, s1;
	s31 =	sshll.u32 s26, $0x7  }
0x27: {  	[sflag:s30] =	ssyncadd.s32 @!p0 $0xFFFFE000;
	s30 =	sand.u32 $0x3FFFFF80, s31;
	s1 =	smul.u32 $0x18, s1  }
0x28: {  	[tilespmem:s14], [sflag:$0x3] =	stream.indirect.gather [hbm4b:s4+s11], $0x40, s30, s11, $0xb8;
	[tilespmem:$0x10800] =	vst v63  }
0x29: {  	s30 =	ssub.s32 s0, s1  }
0x2a: {  	_ =	swait.ge [sflag:s15], $0x2000;
	p1 =	slt.s32 s30, $0x0;
	s0 =	sadd.s32 $0x18, s30  }
0x2b: {  	[sflag:s15] =	ssyncset.done $0x0;
	s30 =	smov.u32 @p1 s0  }
0x2c: {  	s31 =	simm.s32 $0x3C80;
	[sflag:s15] =	ssyncadd.s32 $0xFFFFE000;
	s0 =	sshll.u32 s30, $0x8  }
0x2d: {  	s9 =	simm.s32 $0x0;
	v7 =	vld [tilespmem:s31+$0xFFFFFF80];
	s0 =	sshra.s32 s0, $0x2  }
0x2e: {  	v5 =	vmov s9;
	v4 =	vld [tilespmem:s0+$0x10200]  }
0x2f: {  	v8 =	vand.u32 $0x7C, v5  }
0x30: {  	v9 =	vadd.s32 v0, v8;
	_ =	sdelay $0x2  }
0x31: {  	v5 =	vld [tilespmem:s0+$0x10210];
	v10 =	vadd.f32 v7, v4  }
0x32: {  	v6 =	vld [tilespmem:s0+$0x10220]  }
0x33: {  	v7 =	vld [tilespmem:s0+$0x10230];
	[tilespmem:v9+s16+$0x0] =	vst.idx.msk $0xffff, v10  }
0x34: {  	v9 =	vld [tilespmem:s31+$0xFFFFFF90];
	_ =	sdelay $0x1  }
0x35: {  	v10 =	vadd.s32 v1, v8;
	_ =	sdelay $0x2  }
0x36: {  	v9 =	vadd.f32 v9, v5;
	_ =	sdelay $0x1  }
0x37: {  	[tilespmem:v10+s16+$0x0] =	vst.idx.msk $0xffff, v9  }
0x38: {  	v9 =	vld [tilespmem:s31+$0xFFFFFFA0];
	_ =	sdelay $0x1  }
0x39: {  	v10 =	vadd.s32 v2, v8;
	_ =	sdelay $0x2  }
0x3a: {  	v9 =	vadd.f32 v9, v6;
	_ =	sdelay $0x1  }
0x3b: {  	[tilespmem:v10+s16+$0x0] =	vst.idx.msk $0xffff, v9  }
0x3c: {  	v9 =	vld [tilespmem:s31+$0xFFFFFFB0];
	_ =	sdelay $0x1  }
0x3d: {  	v8 =	vadd.s32 v3, v8;
	_ =	sdelay $0x2  }
0x3e: {  	v9 =	vadd.f32 v9, v7;
	_ =	sdelay $0x1  }
0x3f: {  	s1 =	simm.s32 $0x1;
	[tilespmem:v8+s16+$0x0] =	vst.idx.msk $0xffff, v9  }
0x40: {  	v8 =	vmov s1;
	v9 =	vld [tilespmem:s31+$0xFFFFFFC0]  }
0x41: {  	v8 =	vand.u32 $0x7D, v8  }
0x42: {  	v10 =	vadd.s32 v0, v8;
	_ =	sdelay $0x2  }
0x43: {  	v9 =	vadd.f32 v9, v4;
	_ =	sdelay $0x1  }
0x44: {  	[tilespmem:v10+s16+$0x0] =	vst.idx.msk $0xffff, v9  }
0x45: {  	v9 =	vld [tilespmem:s31+$0xFFFFFFD0];
	_ =	sdelay $0x1  }
0x46: {  	v10 =	vadd.s32 v1, v8;
	_ =	sdelay $0x2  }
0x47: {  	v9 =	vadd.f32 v9, v5;
	_ =	sdelay $0x1  }
0x48: {  	[tilespmem:v10+s16+$0x0] =	vst.idx.msk $0xffff, v9  }
0x49: {  	v9 =	vld [tilespmem:s31+$0xFFFFFFE0];
	_ =	sdelay $0x1  }
0x4a: {  	v10 =	vadd.s32 v2, v8;
	_ =	sdelay $0x2  }
0x4b: {  	v9 =	vadd.f32 v9, v6;
	_ =	sdelay $0x1  }
0x4c: {  	[tilespmem:v10+s16+$0x0] =	vst.idx.msk $0xffff, v9  }
0x4d: {  	v9 =	vld [tilespmem:s31+$0xFFFFFFF0];
	_ =	sdelay $0x1  }
0x4e: {  	v8 =	vadd.s32 v3, v8;
	_ =	sdelay $0x2  }
0x4f: {  	v9 =	vadd.f32 v9, v7;
	_ =	sdelay $0x1  }
0x50: {  	s5 =	simm.s32 $0x2;
	[tilespmem:v8+s16+$0x0] =	vst.idx.msk $0xffff, v9  }
0x51: {  	v8 =	vmov s5;
	v9 =	vld [tilespmem:s31+$0x0]  }
0x52: {  	v8 =	vand.u32 $0x7E, v8  }
0x53: {  	v10 =	vadd.s32 v0, v8;
	_ =	sdelay $0x2  }
0x54: {  	v9 =	vadd.f32 v9, v4;
	_ =	sdelay $0x1  }
0x55: {  	[tilespmem:v10+s16+$0x0] =	vst.idx.msk $0xffff, v9  }
0x56: {  	v9 =	vld [tilespmem:s31+$0x10];
	_ =	sdelay $0x1  }
0x57: {  	v10 =	vadd.s32 v1, v8;
	_ =	sdelay $0x2  }
0x58: {  	v9 =	vadd.f32 v9, v5;
	_ =	sdelay $0x1  }
0x59: {  	[tilespmem:v10+s16+$0x0] =	vst.idx.msk $0xffff, v9  }
0x5a: {  	v9 =	vld [tilespmem:s31+$0x20];
	_ =	sdelay $0x1  }
0x5b: {  	v10 =	vadd.s32 v2, v8;
	_ =	sdelay $0x2  }
0x5c: {  	v9 =	vadd.f32 v9, v6;
	_ =	sdelay $0x1  }
0x5d: {  	[tilespmem:v10+s16+$0x0] =	vst.idx.msk $0xffff, v9  }
0x5e: {  	v9 =	vld [tilespmem:s31+$0x30];
	_ =	sdelay $0x1  }
0x5f: {  	v8 =	vadd.s32 v3, v8;
	_ =	sdelay $0x2  }
0x60: {  	v9 =	vadd.f32 v9, v7;
	_ =	sdelay $0x1  }
0x61: {  	s9 =	simm.s32 $0x3;
	[tilespmem:v8+s16+$0x0] =	vst.idx.msk $0xffff, v9  }
0x62: {  	v8 =	vmov s9;
	v9 =	vld [tilespmem:s31+$0x40]  }
0x63: {  	v8 =	vand.u32 $0x7F, v8  }
0x64: {  	v10 =	vadd.s32 v0, v8;
	_ =	sdelay $0x2  }
0x65: {  	v9 =	vadd.f32 v9, v4;
	_ =	sdelay $0x1  }
0x66: {  	[tilespmem:v10+s16+$0x0] =	vst.idx.msk $0xffff, v9  }
0x67: {  	v9 =	vld [tilespmem:s31+$0x50];
	_ =	sdelay $0x1  }
0x68: {  	v10 =	vadd.s32 v1, v8;
	_ =	sdelay $0x2  }
0x69: {  	v9 =	vadd.f32 v9, v5;
	_ =	sdelay $0x1  }
0x6a: {  	[tilespmem:v10+s16+$0x0] =	vst.idx.msk $0xffff, v9  }
0x6b: {  	v9 =	vld [tilespmem:s31+$0x60];
	_ =	sdelay $0x1  }
0x6c: {  	v10 =	vadd.s32 v2, v8;
	_ =	sdelay $0x2  }
0x6d: {  	v9 =	vadd.f32 v9, v6;
	_ =	sdelay $0x1  }
0x6e: {  	[tilespmem:v10+s16+$0x0] =	vst.idx.msk $0xffff, v9  }
0x6f: {  	v9 =	vld [tilespmem:s31+$0x70];
	_ =	sdelay $0x1  }
0x70: {  	v8 =	vadd.s32 v3, v8;
	_ =	sdelay $0x2  }
0x71: {  	s1 =	simm.s32 $0x4;
	v9 =	vadd.f32 v9, v7  }
.LBB2_3:
0x72: {  	p1 =	slt.u32 s1, $0x7C  }
0x73: {  	s31 =	sadd.s32 $0x100, s31;
	s0 =	smov.u32 s1;
	s1 =	sadd.s32 $0x4, s1;
	[tilespmem:v8+s16+$0x0] =	vst.idx.msk $0xffff, v9  }
0x74: {  	v8 =	vmov s0;
	v9 =	vld [tilespmem:s31+$0xFFFFFF80]  }
0x75: {  	v8 =	vand.u32 $0x7C, v8  }
0x76: {  	v10 =	vadd.s32 v0, v8;
	_ =	sdelay $0x2  }
0x77: {  	v9 =	vadd.f32 v9, v4;
	_ =	sdelay $0x1  }
0x78: {  	[tilespmem:v10+s16+$0x0] =	vst.idx.msk $0xffff, v9  }
0x79: {  	v9 =	vld [tilespmem:s31+$0xFFFFFF90];
	_ =	sdelay $0x1  }
0x7a: {  	v10 =	vadd.s32 v1, v8;
	_ =	sdelay $0x2  }
0x7b: {  	v9 =	vadd.f32 v9, v5;
	_ =	sdelay $0x1  }
0x7c: {  	[tilespmem:v10+s16+$0x0] =	vst.idx.msk $0xffff, v9  }
0x7d: {  	v9 =	vld [tilespmem:s31+$0xFFFFFFA0];
	_ =	sdelay $0x1  }
0x7e: {  	v10 =	vadd.s32 v2, v8;
	_ =	sdelay $0x2  }
0x7f: {  	v9 =	vadd.f32 v9, v6;
	_ =	sdelay $0x1  }
0x80: {  	[tilespmem:v10+s16+$0x0] =	vst.idx.msk $0xffff, v9  }
0x81: {  	v9 =	vld [tilespmem:s31+$0xFFFFFFB0];
	_ =	sdelay $0x1  }
0x82: {  	v8 =	vadd.s32 v3, v8;
	_ =	sdelay $0x2  }
0x83: {  	v9 =	vadd.f32 v9, v7;
	_ =	sdelay $0x1  }
0x84: {  	s9 =	sadd.s32 $0x1, s0;
	[tilespmem:v8+s16+$0x0] =	vst.idx.msk $0xffff, v9  }
0x85: {  	v8 =	vmov s9;
	v9 =	vld [tilespmem:s31+$0xFFFFFFC0]  }
0x86: {  	v8 =	vand.u32 $0x7D, v8  }
0x87: {  	v10 =	vadd.s32 v0, v8;
	_ =	sdelay $0x2  }
0x88: {  	v9 =	vadd.f32 v9, v4;
	_ =	sdelay $0x1  }
0x89: {  	[tilespmem:v10+s16+$0x0] =	vst.idx.msk $0xffff, v9  }
0x8a: {  	v9 =	vld [tilespmem:s31+$0xFFFFFFD0];
	_ =	sdelay $0x1  }
0x8b: {  	v10 =	vadd.s32 v1, v8;
	_ =	sdelay $0x2  }
0x8c: {  	v9 =	vadd.f32 v9, v5;
	_ =	sdelay $0x1  }
0x8d: {  	[tilespmem:v10+s16+$0x0] =	vst.idx.msk $0xffff, v9  }
0x8e: {  	v9 =	vld [tilespmem:s31+$0xFFFFFFE0];
	_ =	sdelay $0x1  }
0x8f: {  	v10 =	vadd.s32 v2, v8;
	_ =	sdelay $0x2  }
0x90: {  	v9 =	vadd.f32 v9, v6;
	_ =	sdelay $0x1  }
0x91: {  	[tilespmem:v10+s16+$0x0] =	vst.idx.msk $0xffff, v9  }
0x92: {  	v9 =	vld [tilespmem:s31+$0xFFFFFFF0];
	_ =	sdelay $0x1  }
0x93: {  	v8 =	vadd.s32 v3, v8;
	_ =	sdelay $0x2  }
0x94: {  	v9 =	vadd.f32 v9, v7;
	_ =	sdelay $0x1  }
0x95: {  	s9 =	sadd.s32 $0x2, s0;
	[tilespmem:v8+s16+$0x0] =	vst.idx.msk $0xffff, v9  }
0x96: {  	v8 =	vmov s9;
	v9 =	vld [tilespmem:s31+$0x0]  }
0x97: {  	v8 =	vand.u32 $0x7E, v8  }
0x98: {  	v10 =	vadd.s32 v0, v8;
	_ =	sdelay $0x2  }
0x99: {  	v9 =	vadd.f32 v9, v4;
	_ =	sdelay $0x1  }
0x9a: {  	[tilespmem:v10+s16+$0x0] =	vst.idx.msk $0xffff, v9  }
0x9b: {  	v9 =	vld [tilespmem:s31+$0x10];
	_ =	sdelay $0x1  }
0x9c: {  	v10 =	vadd.s32 v1, v8;
	_ =	sdelay $0x2  }
0x9d: {  	v9 =	vadd.f32 v9, v5;
	_ =	sdelay $0x1  }
0x9e: {  	[tilespmem:v10+s16+$0x0] =	vst.idx.msk $0xffff, v9  }
0x9f: {  	v9 =	vld [tilespmem:s31+$0x20];
	_ =	sdelay $0x1  }
0xa0: {  	v10 =	vadd.s32 v2, v8;
	_ =	sdelay $0x2  }
0xa1: {  	v9 =	vadd.f32 v9, v6;
	_ =	sdelay $0x1  }
0xa2: {  	[tilespmem:v10+s16+$0x0] =	vst.idx.msk $0xffff, v9  }
0xa3: {  	v9 =	vld [tilespmem:s31+$0x30];
	_ =	sdelay $0x1  }
0xa4: {  	v8 =	vadd.s32 v3, v8;
	_ =	sdelay $0x2  }
0xa5: {  	v9 =	vadd.f32 v9, v7;
	_ =	sdelay $0x1  }
0xa6: {  	s0 =	sadd.s32 $0x3, s0;
	[tilespmem:v8+s16+$0x0] =	vst.idx.msk $0xffff, v9  }
0xa7: {  	v8 =	vmov s0;
	v9 =	vld [tilespmem:s31+$0x40]  }
0xa8: {  	v8 =	vand.u32 $0x7F, v8  }
0xa9: {  	v10 =	vadd.s32 v0, v8;
	_ =	sdelay $0x2  }
0xaa: {  	v9 =	vadd.f32 v9, v4;
	_ =	sdelay $0x1  }
0xab: {  	[tilespmem:v10+s16+$0x0] =	vst.idx.msk $0xffff, v9  }
0xac: {  	v9 =	vld [tilespmem:s31+$0x50];
	_ =	sdelay $0x1  }
0xad: {  	v10 =	vadd.s32 v1, v8;
	_ =	sdelay $0x2  }
0xae: {  	v9 =	vadd.f32 v9, v5;
	_ =	sdelay $0x1  }
0xaf: {  	[tilespmem:v10+s16+$0x0] =	vst.idx.msk $0xffff, v9  }
0xb0: {  	v9 =	vld [tilespmem:s31+$0x60];
	_ =	sdelay $0x1  }
0xb1: {  	v10 =	vadd.s32 v2, v8;
	_ =	sdelay $0x2  }
0xb2: {  	v9 =	vadd.f32 v9, v6;
	_ =	sdelay $0x1  }
0xb3: {  	[tilespmem:v10+s16+$0x0] =	vst.idx.msk $0xffff, v9  }
0xb4: {  	v9 =	vld [tilespmem:s31+$0x70]  }
.Ltmp0:
0xb5: {  	(pc) =	sbr.rel @p1 .LBB2_3-.Ltmp0, $2  }
0xb6: {  	v8 =	vadd.s32 v3, v8;
	_ =	sdelay $0x2  }
0xb7: {  	v9 =	vadd.f32 v9, v7  }
0xb8: {  	s0 =	smulhi.u32 $0xAAAAAAAB, s29;
	_ =	sdelay $0x1  }
0xb9: {  	s1 =	smul.u32 $0xC00, s25;
	s0 =	sshrl.u32 s0, $0x7  }
0xba: {  	s0 =	smul.u32 $0x180000, s0  }
0xbb: {  	s9 =	sshll.u32 s30, $0x10  }
0xbc: {  	s1 =	sand.u32 $0x1C00, s1;
	s0 =	sadd.s32 s0, s9  }
0xbd: {  	s0 =	sor.u32 s1, s0  }
0xbe: {  	s0 =	sshrl.u32 s0, $0x3  }
0xbf: {  	s5 =	simm.s32 $0x9C00;
	[tilespmem:v8+s16+$0x0] =	vst.idx.msk $0xffff, v9;
	s1 =	sadd.s32 s2, s0  }
0xc0: {  	[hbm4b:s1+s3] =	stream.linear.scatter [tilespmem:s5], [sflag:$0x4], $0x80, $0x38;
	[tilespmem:$0x10800] =	vst v63  }
0xc1: {  	s9 =	simm.s32 $0x9C88;
	s5 =	sadd.s32 $0x10, s1  }
0xc2: {  	[hbm4b:s5+s3] =	stream.linear.scatter [tilespmem:s9], [sflag:$0x4], $0x80, $0x38;
	[tilespmem:$0x10800] =	vst v63  }
0xc3: {  	s29 =	simm.s32 $0x2200;
	s9 =	simm.s32 $0x9D10;
	s5 =	sadd.s32 $0x20, s1  }
0xc4: {  	[hbm4b:s5+s3] =	stream.linear.scatter [tilespmem:s9], [sflag:$0x4], $0x80, $0x38;
	[tilespmem:$0x10800] =	vst v63  }
0xc5: {  	s30 =	simm.s32 $0x9FB8;
	s9 =	simm.s32 $0x9D98;
	s5 =	sadd.s32 $0x30, s1  }
0xc6: {  	[hbm4b:s5+s3] =	stream.linear.scatter [tilespmem:s9], [sflag:$0x4], $0x80, $0x38;
	[tilespmem:$0x10800] =	vst v63  }
0xc7: {  	s0 =	simm.s32 $0x440;
	s9 =	simm.s32 $0x9E20;
	s5 =	sadd.s32 $0x40, s1  }
0xc8: {  	[hbm4b:s5+s3] =	stream.linear.scatter [tilespmem:s9], [sflag:$0x4], $0x80, $0x38;
	[tilespmem:$0x10800] =	vst v63  }
0xc9: {  	s31 =	sadd.s32 $0x70, s1;
	s9 =	simm.s32 $0x9EA8;
	s5 =	sadd.s32 $0x50, s1  }
0xca: {  	[hbm4b:s5+s3] =	stream.linear.scatter [tilespmem:s9], [sflag:$0x4], $0x80, $0x38;
	[tilespmem:$0x10800] =	vst v63  }
0xcb: {  	s9 =	simm.s32 $0x9F30;
	s5 =	sadd.s32 $0x60, s1;
	s1 =	sadd.s32 $0x400, s1  }
0xcc: {  	[hbm4b:s5+s3] =	stream.linear.scatter [tilespmem:s9], [sflag:$0x4], $0x80, $0x38;
	[tilespmem:$0x10800] =	vst v63  }
.LBB2_5:
0xcd: {  	[hbm4b:s31+s3] =	stream.linear.scatter [tilespmem:s30], [sflag:$0x4], $0x80, $0x38;
	[tilespmem:$0x10800] =	vst v63  }
0xce: {  	s9 =	smov.u32 s0;
	s0 =	smov.u32 s29  }
0xcf: {  	s5 =	sadd.s32 $0x1100, s29;
	s0 =	sshra.s32 s0, $0x2;
	s30 =	sadd.s32 $0x9C00, s9  }
0xd0: {  	[hbm4b:s1+s3] =	stream.linear.scatter [tilespmem:s30], [sflag:$0x4], $0x80, $0x38;
	[tilespmem:$0x10800] =	vst v63  }
0xd1: {  	p1 =	sne.s32 s29, $0x7700;
	s29 =	sadd.s32 $0x9C88, s9;
	s30 =	sadd.s32 $0x10, s1  }
0xd2: {  	[hbm4b:s30+s3] =	stream.linear.scatter [tilespmem:s29], [sflag:$0x4], $0x80, $0x38;
	[tilespmem:$0x10800] =	vst v63  }
0xd3: {  	s29 =	sadd.s32 $0x9D10, s9;
	s30 =	sadd.s32 $0x20, s1  }
0xd4: {  	[hbm4b:s30+s3] =	stream.linear.scatter [tilespmem:s29], [sflag:$0x4], $0x80, $0x38;
	[tilespmem:$0x10800] =	vst v63  }
0xd5: {  	s29 =	sadd.s32 $0x9D98, s9;
	s30 =	sadd.s32 $0x30, s1  }
0xd6: {  	[hbm4b:s30+s3] =	stream.linear.scatter [tilespmem:s29], [sflag:$0x4], $0x80, $0x38;
	[tilespmem:$0x10800] =	vst v63  }
0xd7: {  	s29 =	sadd.s32 $0x9E20, s9;
	s30 =	sadd.s32 $0x40, s1  }
0xd8: {  	[hbm4b:s30+s3] =	stream.linear.scatter [tilespmem:s29], [sflag:$0x4], $0x80, $0x38;
	[tilespmem:$0x10800] =	vst v63  }
.Ltmp1:
0xd9: {  	s29 =	sadd.s32 $0x9EA8, s9;
	s30 =	sadd.s32 $0x50, s1;
	(pc) =	sbr.rel @p1 .LBB2_5-.Ltmp1, $4  }
0xda: {  	[hbm4b:s30+s3] =	stream.linear.scatter [tilespmem:s29], [sflag:$0x4], $0x80, $0x38;
	[tilespmem:$0x10800] =	vst v63  }
0xdb: {  	s31 =	sadd.s32 $0x70, s1;
	s29 =	sadd.s32 $0x9F30, s9;
	s30 =	sadd.s32 $0x60, s1  }
0xdc: {  	[hbm4b:s30+s3] =	stream.linear.scatter [tilespmem:s29], [sflag:$0x4], $0x80, $0x38;
	[tilespmem:$0x10800] =	vst v63  }
0xdd: {  	s1 =	sadd.s32 $0x400, s1;
	s30 =	sadd.s32 $0x9FB8, s9;
	s29 =	smov.u32 s5  }
0xde: {  	[hbm4b:s31+s3] =	stream.linear.scatter [tilespmem:s30], [sflag:$0x4], $0x80, $0x38;
	[tilespmem:$0x10800] =	vst v63  }
0xdf: {  	s5 =	sadd.s32 $0x9C00, s0  }
0xe0: {  	[hbm4b:s1+s3] =	stream.linear.scatter [tilespmem:s5], [sflag:$0x4], $0x80, $0x38;
	[tilespmem:$0x10800] =	vst v63  }
0xe1: {  	s9 =	sadd.s32 $0x10, s1;
	s5 =	sadd.s32 $0x9C88, s0  }
0xe2: {  	[hbm4b:s9+s3] =	stream.linear.scatter [tilespmem:s5], [sflag:$0x4], $0x80, $0x38;
	[tilespmem:$0x10800] =	vst v63  }
0xe3: {  	s5 =	sadd.s32 $0x9D10, s0;
	s9 =	sadd.s32 $0x20, s1  }
0xe4: {  	[hbm4b:s9+s3] =	stream.linear.scatter [tilespmem:s5], [sflag:$0x4], $0x80, $0x38;
	[tilespmem:$0x10800] =	vst v63  }
0xe5: {  	s5 =	sadd.s32 $0x9D98, s0;
	s9 =	sadd.s32 $0x30, s1  }
0xe6: {  	[hbm4b:s9+s3] =	stream.linear.scatter [tilespmem:s5], [sflag:$0x4], $0x80, $0x38;
	[tilespmem:$0x10800] =	vst v63  }
0xe7: {  	s5 =	sadd.s32 $0x9E20, s0;
	s9 =	sadd.s32 $0x40, s1  }
0xe8: {  	[hbm4b:s9+s3] =	stream.linear.scatter [tilespmem:s5], [sflag:$0x4], $0x80, $0x38;
	[tilespmem:$0x10800] =	vst v63  }
0xe9: {  	s5 =	sadd.s32 $0x9EA8, s0;
	s9 =	sadd.s32 $0x50, s1  }
0xea: {  	[hbm4b:s9+s3] =	stream.linear.scatter [tilespmem:s5], [sflag:$0x4], $0x80, $0x38;
	[tilespmem:$0x10800] =	vst v63  }
0xeb: {  	s5 =	sadd.s32 $0x9F30, s0;
	s9 =	sadd.s32 $0x60, s1  }
0xec: {  	[hbm4b:s9+s3] =	stream.linear.scatter [tilespmem:s5], [sflag:$0x4], $0x80, $0x38;
	[tilespmem:$0x10800] =	vst v63  }
0xed: {  	s9 =	sadd.s32 $0x9FB8, s0;
	s5 =	sadd.s32 $0x70, s1;
	s0 =	simm.s32 @!p0 $0x5  }
0xee: {  	[hbm4b:s5+s3] =	stream.linear.scatter [tilespmem:s9], [sflag:$0x4], $0x80, $0x38;
	[tilespmem:$0x10800] =	vst v63  }
0xef: {  	p1 =	seq.s32 @!p0 s25, $0x27;
	s28 =	sadd.s32 $0x1, s28;
	_ =	swait.ge @!p0 [sflag:s0], $0x2000  }
0xf0: {  	p1 =	por p0, !p1;
	s29 =	sadd.s32 s6, s28;
	[sflag:s0] =	ssyncset.done @!p0 $0x0  }
0xf1: {  	s9 =	sshrl.u32 s29, $0x3;
	[sflag:s0] =	ssyncadd.s32 @!p0 $0xFFFFE000;
	s0 =	smul.u32 @p1 $0x600, s25  }
0xf2: {  	s5 =	smulhi.u32 $0xAAAAAAB, s9  }
0xf3: {  	s0 =	sshra.s32 @p1 s0, $0x2  }
0xf4: {  	s1 =	smul.u32 $0x18, s5;
	s0 =	sadd.s32 @p1 $0x180, s0  }
0xf5: {  	[tilespmem:s12], [sflag:$0x1] =	stream.indirect.gather @p1 [hbm4b:s4+s11], $0x40, s0, s11, $0xb8;
	[tilespmem:$0x10800] =	vst v63  }
0xf6: {  	_ =	swait.ge [sflag:s17], $0x2000  }
0xf7: {  	s30 =	ssub.s32 s9, s1;
	[sflag:s17] =	ssyncset.done $0x0  }
0xf8: {  	s0 =	sshll.u32 s30, $0x6;
	[sflag:s17] =	ssyncadd.s32 $0xFFFFE000  }
0xf9: {  	s31 =	simm.s32 $0x5C80;
	s9 =	simm.s32 $0x0;
	v4 =	vld [tilespmem:s0+$0x10200]  }
0xfa: {  	v5 =	vmov s9;
	v7 =	vld [tilespmem:s31+$0xFFFFFF80]  }
0xfb: {  	v8 =	vand.u32 $0x7C, v5  }
0xfc: {  	v9 =	vadd.s32 v0, v8;
	_ =	sdelay $0x2  }
0xfd: {  	v5 =	vld [tilespmem:s0+$0x10210];
	v10 =	vadd.f32 v7, v4  }
0xfe: {  	v6 =	vld [tilespmem:s0+$0x10220]  }
0xff: {  	v7 =	vld [tilespmem:s0+$0x10230];
	[tilespmem:v9+s18+$0x0] =	vst.idx.msk $0xffff, v10  }
0x100: {  	v9 =	vld [tilespmem:s31+$0xFFFFFF90];
	_ =	sdelay $0x1  }
0x101: {  	v10 =	vadd.s32 v1, v8;
	_ =	sdelay $0x2  }
0x102: {  	v9 =	vadd.f32 v9, v5;
	_ =	sdelay $0x1  }
0x103: {  	[tilespmem:v10+s18+$0x0] =	vst.idx.msk $0xffff, v9  }
0x104: {  	v9 =	vld [tilespmem:s31+$0xFFFFFFA0];
	_ =	sdelay $0x1  }
0x105: {  	v10 =	vadd.s32 v2, v8;
	_ =	sdelay $0x2  }
0x106: {  	v9 =	vadd.f32 v9, v6;
	_ =	sdelay $0x1  }
0x107: {  	[tilespmem:v10+s18+$0x0] =	vst.idx.msk $0xffff, v9  }
0x108: {  	v9 =	vld [tilespmem:s31+$0xFFFFFFB0];
	_ =	sdelay $0x1  }
0x109: {  	v8 =	vadd.s32 v3, v8;
	_ =	sdelay $0x2  }
0x10a: {  	v9 =	vadd.f32 v9, v7;
	_ =	sdelay $0x1  }
0x10b: {  	s1 =	simm.s32 $0x1;
	[tilespmem:v8+s18+$0x0] =	vst.idx.msk $0xffff, v9  }
0x10c: {  	v8 =	vmov s1;
	v9 =	vld [tilespmem:s31+$0xFFFFFFC0]  }
0x10d: {  	v8 =	vand.u32 $0x7D, v8  }
0x10e: {  	v10 =	vadd.s32 v0, v8;
	_ =	sdelay $0x2  }
0x10f: {  	v9 =	vadd.f32 v9, v4;
	_ =	sdelay $0x1  }
0x110: {  	[tilespmem:v10+s18+$0x0] =	vst.idx.msk $0xffff, v9  }
0x111: {  	v9 =	vld [tilespmem:s31+$0xFFFFFFD0];
	_ =	sdelay $0x1  }
0x112: {  	v10 =	vadd.s32 v1, v8;
	_ =	sdelay $0x2  }
0x113: {  	v9 =	vadd.f32 v9, v5;
	_ =	sdelay $0x1  }
0x114: {  	[tilespmem:v10+s18+$0x0] =	vst.idx.msk $0xffff, v9  }
0x115: {  	v9 =	vld [tilespmem:s31+$0xFFFFFFE0];
	_ =	sdelay $0x1  }
0x116: {  	v10 =	vadd.s32 v2, v8;
	_ =	sdelay $0x2  }
0x117: {  	v9 =	vadd.f32 v9, v6;
	_ =	sdelay $0x1  }
0x118: {  	[tilespmem:v10+s18+$0x0] =	vst.idx.msk $0xffff, v9  }
0x119: {  	v9 =	vld [tilespmem:s31+$0xFFFFFFF0];
	_ =	sdelay $0x1  }
0x11a: {  	v8 =	vadd.s32 v3, v8;
	_ =	sdelay $0x2  }
0x11b: {  	v9 =	vadd.f32 v9, v7;
	_ =	sdelay $0x1  }
0x11c: {  	s5 =	simm.s32 $0x2;
	[tilespmem:v8+s18+$0x0] =	vst.idx.msk $0xffff, v9  }
0x11d: {  	v8 =	vmov s5;
	v9 =	vld [tilespmem:s31+$0x0]  }
0x11e: {  	v8 =	vand.u32 $0x7E, v8  }
0x11f: {  	v10 =	vadd.s32 v0, v8;
	_ =	sdelay $0x2  }
0x120: {  	v9 =	vadd.f32 v9, v4;
	_ =	sdelay $0x1  }
0x121: {  	[tilespmem:v10+s18+$0x0] =	vst.idx.msk $0xffff, v9  }
0x122: {  	v9 =	vld [tilespmem:s31+$0x10];
	_ =	sdelay $0x1  }
0x123: {  	v10 =	vadd.s32 v1, v8;
	_ =	sdelay $0x2  }
0x124: {  	v9 =	vadd.f32 v9, v5;
	_ =	sdelay $0x1  }
0x125: {  	[tilespmem:v10+s18+$0x0] =	vst.idx.msk $0xffff, v9  }
0x126: {  	v9 =	vld [tilespmem:s31+$0x20];
	_ =	sdelay $0x1  }
0x127: {  	v10 =	vadd.s32 v2, v8;
	_ =	sdelay $0x2  }
0x128: {  	v9 =	vadd.f32 v9, v6;
	_ =	sdelay $0x1  }
0x129: {  	[tilespmem:v10+s18+$0x0] =	vst.idx.msk $0xffff, v9  }
0x12a: {  	v9 =	vld [tilespmem:s31+$0x30];
	_ =	sdelay $0x1  }
0x12b: {  	v8 =	vadd.s32 v3, v8;
	_ =	sdelay $0x2  }
0x12c: {  	v9 =	vadd.f32 v9, v7;
	_ =	sdelay $0x1  }
0x12d: {  	s9 =	simm.s32 $0x3;
	[tilespmem:v8+s18+$0x0] =	vst.idx.msk $0xffff, v9  }
0x12e: {  	v8 =	vmov s9;
	v9 =	vld [tilespmem:s31+$0x40]  }
0x12f: {  	v8 =	vand.u32 $0x7F, v8  }
0x130: {  	v10 =	vadd.s32 v0, v8;
	_ =	sdelay $0x2  }
0x131: {  	v9 =	vadd.f32 v9, v4;
	_ =	sdelay $0x1  }
0x132: {  	[tilespmem:v10+s18+$0x0] =	vst.idx.msk $0xffff, v9  }
0x133: {  	v9 =	vld [tilespmem:s31+$0x50];
	_ =	sdelay $0x1  }
0x134: {  	v10 =	vadd.s32 v1, v8;
	_ =	sdelay $0x2  }
0x135: {  	v9 =	vadd.f32 v9, v5;
	_ =	sdelay $0x1  }
0x136: {  	[tilespmem:v10+s18+$0x0] =	vst.idx.msk $0xffff, v9  }
0x137: {  	v9 =	vld [tilespmem:s31+$0x60];
	_ =	sdelay $0x1  }
0x138: {  	v10 =	vadd.s32 v2, v8;
	_ =	sdelay $0x2  }
0x139: {  	v9 =	vadd.f32 v9, v6;
	_ =	sdelay $0x1  }
0x13a: {  	[tilespmem:v10+s18+$0x0] =	vst.idx.msk $0xffff, v9  }
0x13b: {  	v9 =	vld [tilespmem:s31+$0x70];
	_ =	sdelay $0x1  }
0x13c: {  	v8 =	vadd.s32 v3, v8;
	_ =	sdelay $0x2  }
0x13d: {  	s1 =	simm.s32 $0x4;
	v9 =	vadd.f32 v9, v7  }
.LBB2_7:
0x13e: {  	p2 =	slt.u32 s1, $0x7C  }
0x13f: {  	s31 =	sadd.s32 $0x100, s31;
	s0 =	smov.u32 s1;
	s1 =	sadd.s32 $0x4, s1;
	[tilespmem:v8+s18+$0x0] =	vst.idx.msk $0xffff, v9  }
0x140: {  	v8 =	vmov s0;
	v9 =	vld [tilespmem:s31+$0xFFFFFF80]  }
0x141: {  	v8 =	vand.u32 $0x7C, v8  }
0x142: {  	v10 =	vadd.s32 v0, v8;
	_ =	sdelay $0x2  }
0x143: {  	v9 =	vadd.f32 v9, v4;
	_ =	sdelay $0x1  }
0x144: {  	[tilespmem:v10+s18+$0x0] =	vst.idx.msk $0xffff, v9  }
0x145: {  	v9 =	vld [tilespmem:s31+$0xFFFFFF90];
	_ =	sdelay $0x1  }
0x146: {  	v10 =	vadd.s32 v1, v8;
	_ =	sdelay $0x2  }
0x147: {  	v9 =	vadd.f32 v9, v5;
	_ =	sdelay $0x1  }
0x148: {  	[tilespmem:v10+s18+$0x0] =	vst.idx.msk $0xffff, v9  }
0x149: {  	v9 =	vld [tilespmem:s31+$0xFFFFFFA0];
	_ =	sdelay $0x1  }
0x14a: {  	v10 =	vadd.s32 v2, v8;
	_ =	sdelay $0x2  }
0x14b: {  	v9 =	vadd.f32 v9, v6;
	_ =	sdelay $0x1  }
0x14c: {  	[tilespmem:v10+s18+$0x0] =	vst.idx.msk $0xffff, v9  }
0x14d: {  	v9 =	vld [tilespmem:s31+$0xFFFFFFB0];
	_ =	sdelay $0x1  }
0x14e: {  	v8 =	vadd.s32 v3, v8;
	_ =	sdelay $0x2  }
0x14f: {  	v9 =	vadd.f32 v9, v7;
	_ =	sdelay $0x1  }
0x150: {  	s5 =	sadd.s32 $0x1, s0;
	[tilespmem:v8+s18+$0x0] =	vst.idx.msk $0xffff, v9  }
0x151: {  	v8 =	vmov s5;
	v9 =	vld [tilespmem:s31+$0xFFFFFFC0]  }
0x152: {  	v8 =	vand.u32 $0x7D, v8  }
0x153: {  	v10 =	vadd.s32 v0, v8;
	_ =	sdelay $0x2  }
0x154: {  	v9 =	vadd.f32 v9, v4;
	_ =	sdelay $0x1  }
0x155: {  	[tilespmem:v10+s18+$0x0] =	vst.idx.msk $0xffff, v9  }
0x156: {  	v9 =	vld [tilespmem:s31+$0xFFFFFFD0];
	_ =	sdelay $0x1  }
0x157: {  	v10 =	vadd.s32 v1, v8;
	_ =	sdelay $0x2  }
0x158: {  	v9 =	vadd.f32 v9, v5;
	_ =	sdelay $0x1  }
0x159: {  	[tilespmem:v10+s18+$0x0] =	vst.idx.msk $0xffff, v9  }
0x15a: {  	v9 =	vld [tilespmem:s31+$0xFFFFFFE0];
	_ =	sdelay $0x1  }
0x15b: {  	v10 =	vadd.s32 v2, v8;
	_ =	sdelay $0x2  }
0x15c: {  	v9 =	vadd.f32 v9, v6;
	_ =	sdelay $0x1  }
0x15d: {  	[tilespmem:v10+s18+$0x0] =	vst.idx.msk $0xffff, v9  }
0x15e: {  	v9 =	vld [tilespmem:s31+$0xFFFFFFF0];
	_ =	sdelay $0x1  }
0x15f: {  	v8 =	vadd.s32 v3, v8;
	_ =	sdelay $0x2  }
0x160: {  	v9 =	vadd.f32 v9, v7;
	_ =	sdelay $0x1  }
0x161: {  	s5 =	sadd.s32 $0x2, s0;
	[tilespmem:v8+s18+$0x0] =	vst.idx.msk $0xffff, v9  }
0x162: {  	v8 =	vmov s5;
	v9 =	vld [tilespmem:s31+$0x0]  }
0x163: {  	v8 =	vand.u32 $0x7E, v8  }
0x164: {  	v10 =	vadd.s32 v0, v8;
	_ =	sdelay $0x2  }
0x165: {  	v9 =	vadd.f32 v9, v4;
	_ =	sdelay $0x1  }
0x166: {  	[tilespmem:v10+s18+$0x0] =	vst.idx.msk $0xffff, v9  }
0x167: {  	v9 =	vld [tilespmem:s31+$0x10];
	_ =	sdelay $0x1  }
0x168: {  	v10 =	vadd.s32 v1, v8;
	_ =	sdelay $0x2  }
0x169: {  	v9 =	vadd.f32 v9, v5;
	_ =	sdelay $0x1  }
0x16a: {  	[tilespmem:v10+s18+$0x0] =	vst.idx.msk $0xffff, v9  }
0x16b: {  	v9 =	vld [tilespmem:s31+$0x20];
	_ =	sdelay $0x1  }
0x16c: {  	v10 =	vadd.s32 v2, v8;
	_ =	sdelay $0x2  }
0x16d: {  	v9 =	vadd.f32 v9, v6;
	_ =	sdelay $0x1  }
0x16e: {  	[tilespmem:v10+s18+$0x0] =	vst.idx.msk $0xffff, v9  }
0x16f: {  	v9 =	vld [tilespmem:s31+$0x30];
	_ =	sdelay $0x1  }
0x170: {  	v8 =	vadd.s32 v3, v8;
	_ =	sdelay $0x2  }
0x171: {  	v9 =	vadd.f32 v9, v7;
	_ =	sdelay $0x1  }
0x172: {  	s0 =	sadd.s32 $0x3, s0;
	[tilespmem:v8+s18+$0x0] =	vst.idx.msk $0xffff, v9  }
0x173: {  	v8 =	vmov s0;
	v9 =	vld [tilespmem:s31+$0x40]  }
0x174: {  	v8 =	vand.u32 $0x7F, v8  }
0x175: {  	v10 =	vadd.s32 v0, v8;
	_ =	sdelay $0x2  }
0x176: {  	v9 =	vadd.f32 v9, v4;
	_ =	sdelay $0x1  }
0x177: {  	[tilespmem:v10+s18+$0x0] =	vst.idx.msk $0xffff, v9  }
0x178: {  	v9 =	vld [tilespmem:s31+$0x50];
	_ =	sdelay $0x1  }
0x179: {  	v10 =	vadd.s32 v1, v8;
	_ =	sdelay $0x2  }
0x17a: {  	v9 =	vadd.f32 v9, v5;
	_ =	sdelay $0x1  }
0x17b: {  	[tilespmem:v10+s18+$0x0] =	vst.idx.msk $0xffff, v9  }
0x17c: {  	v9 =	vld [tilespmem:s31+$0x60];
	_ =	sdelay $0x1  }
0x17d: {  	v10 =	vadd.s32 v2, v8;
	_ =	sdelay $0x2  }
0x17e: {  	v9 =	vadd.f32 v9, v6;
	_ =	sdelay $0x1  }
0x17f: {  	[tilespmem:v10+s18+$0x0] =	vst.idx.msk $0xffff, v9  }
0x180: {  	v9 =	vld [tilespmem:s31+$0x70]  }
.Ltmp2:
0x181: {  	(pc) =	sbr.rel @p2 .LBB2_7-.Ltmp2, $2  }
0x182: {  	v8 =	vadd.s32 v3, v8;
	_ =	sdelay $0x2  }
0x183: {  	v9 =	vadd.f32 v9, v7  }
0x184: {  	s0 =	smulhi.u32 $0xAAAAAAAB, s29;
	_ =	sdelay $0x1  }
0x185: {  	s0 =	sshrl.u32 s0, $0x7  }
0x186: {  	s0 =	smul.u32 $0x180000, s0  }
0x187: {  	s1 =	sshll.u32 s30, $0x10;
	s5 =	sshll.u32 s28, $0xA  }
0x188: {  	s31 =	sand.u32 $0x1C00, s5;
	s0 =	sadd.s32 s0, s1  }
0x189: {  	s0 =	sor.u32 s31, s0  }
0x18a: {  	s0 =	sshrl.u32 s0, $0x3  }
0x18b: {  	[tilespmem:v8+s18+$0x0] =	vst.idx.msk $0xffff, v9;
	s5 =	simm.s32 $0xBE00;
	s1 =	sadd.s32 s2, s0  }
0x18c: {  	[hbm4b:s1+s3] =	stream.linear.scatter [tilespmem:s5], [sflag:$0x5], $0x80, $0x38;
	[tilespmem:$0x10800] =	vst v63  }
0x18d: {  	s9 =	simm.s32 $0xBE88;
	s31 =	sadd.s32 $0x10, s1  }
0x18e: {  	[hbm4b:s31+s3] =	stream.linear.scatter [tilespmem:s9], [sflag:$0x5], $0x80, $0x38;
	[tilespmem:$0x10800] =	vst v63  }
0x18f: {  	s28 =	simm.s32 $0x2200;
	s9 =	simm.s32 $0xBF10;
	s31 =	sadd.s32 $0x20, s1  }
0x190: {  	[hbm4b:s31+s3] =	stream.linear.scatter [tilespmem:s9], [sflag:$0x5], $0x80, $0x38;
	[tilespmem:$0x10800] =	vst v63  }
0x191: {  	s29 =	simm.s32 $0xC1B8;
	s9 =	simm.s32 $0xBF98;
	s31 =	sadd.s32 $0x30, s1  }
0x192: {  	[hbm4b:s31+s3] =	stream.linear.scatter [tilespmem:s9], [sflag:$0x5], $0x80, $0x38;
	[tilespmem:$0x10800] =	vst v63  }
0x193: {  	s0 =	simm.s32 $0x440;
	s9 =	simm.s32 $0xC020;
	s31 =	sadd.s32 $0x40, s1  }
0x194: {  	[hbm4b:s31+s3] =	stream.linear.scatter [tilespmem:s9], [sflag:$0x5], $0x80, $0x38;
	[tilespmem:$0x10800] =	vst v63  }
0x195: {  	s30 =	sadd.s32 $0x70, s1;
	s9 =	simm.s32 $0xC0A8;
	s31 =	sadd.s32 $0x50, s1  }
0x196: {  	[hbm4b:s31+s3] =	stream.linear.scatter [tilespmem:s9], [sflag:$0x5], $0x80, $0x38;
	[tilespmem:$0x10800] =	vst v63  }
0x197: {  	s9 =	simm.s32 $0xC130;
	s31 =	sadd.s32 $0x60, s1;
	s1 =	sadd.s32 $0x400, s1  }
0x198: {  	[hbm4b:s31+s3] =	stream.linear.scatter [tilespmem:s9], [sflag:$0x5], $0x80, $0x38;
	[tilespmem:$0x10800] =	vst v63  }
.LBB2_9:
0x199: {  	[hbm4b:s30+s3] =	stream.linear.scatter [tilespmem:s29], [sflag:$0x5], $0x80, $0x38;
	[tilespmem:$0x10800] =	vst v63  }
0x19a: {  	s5 =	smov.u32 s0;
	s0 =	smov.u32 s28  }
0x19b: {  	s9 =	sadd.s32 $0x1100, s28;
	s0 =	sshra.s32 s0, $0x2;
	s29 =	sadd.s32 $0xBE00, s5  }
0x19c: {  	[hbm4b:s1+s3] =	stream.linear.scatter [tilespmem:s29], [sflag:$0x5], $0x80, $0x38;
	[tilespmem:$0x10800] =	vst v63  }
0x19d: {  	p2 =	sne.s32 s28, $0x7700;
	s28 =	sadd.s32 $0xBE88, s5;
	s29 =	sadd.s32 $0x10, s1  }
0x19e: {  	[hbm4b:s29+s3] =	stream.linear.scatter [tilespmem:s28], [sflag:$0x5], $0x80, $0x38;
	[tilespmem:$0x10800] =	vst v63  }
0x19f: {  	s28 =	sadd.s32 $0xBF10, s5;
	s29 =	sadd.s32 $0x20, s1  }
0x1a0: {  	[hbm4b:s29+s3] =	stream.linear.scatter [tilespmem:s28], [sflag:$0x5], $0x80, $0x38;
	[tilespmem:$0x10800] =	vst v63  }
0x1a1: {  	s28 =	sadd.s32 $0xBF98, s5;
	s29 =	sadd.s32 $0x30, s1  }
0x1a2: {  	[hbm4b:s29+s3] =	stream.linear.scatter [tilespmem:s28], [sflag:$0x5], $0x80, $0x38;
	[tilespmem:$0x10800] =	vst v63  }
0x1a3: {  	s28 =	sadd.s32 $0xC020, s5;
	s29 =	sadd.s32 $0x40, s1  }
0x1a4: {  	[hbm4b:s29+s3] =	stream.linear.scatter [tilespmem:s28], [sflag:$0x5], $0x80, $0x38;
	[tilespmem:$0x10800] =	vst v63  }
.Ltmp3:
0x1a5: {  	s28 =	sadd.s32 $0xC0A8, s5;
	s29 =	sadd.s32 $0x50, s1;
	(pc) =	sbr.rel @p2 .LBB2_9-.Ltmp3, $4  }
0x1a6: {  	[hbm4b:s29+s3] =	stream.linear.scatter [tilespmem:s28], [sflag:$0x5], $0x80, $0x38;
	[tilespmem:$0x10800] =	vst v63  }
0x1a7: {  	s30 =	sadd.s32 $0x70, s1;
	s28 =	sadd.s32 $0xC130, s5;
	s29 =	sadd.s32 $0x60, s1  }
0x1a8: {  	[hbm4b:s29+s3] =	stream.linear.scatter [tilespmem:s28], [sflag:$0x5], $0x80, $0x38;
	[tilespmem:$0x10800] =	vst v63  }
0x1a9: {  	s1 =	sadd.s32 $0x400, s1;
	s29 =	sadd.s32 $0xC1B8, s5;
	s28 =	smov.u32 s9  }
0x1aa: {  	[hbm4b:s30+s3] =	stream.linear.scatter [tilespmem:s29], [sflag:$0x5], $0x80, $0x38;
	[tilespmem:$0x10800] =	vst v63  }
0x1ab: {  	s5 =	sadd.s32 $0xBE00, s0  }
0x1ac: {  	[hbm4b:s1+s3] =	stream.linear.scatter [tilespmem:s5], [sflag:$0x5], $0x80, $0x38;
	[tilespmem:$0x10800] =	vst v63  }
0x1ad: {  	s31 =	sadd.s32 $0xBE88, s0;
	s9 =	sadd.s32 $0x10, s1  }
0x1ae: {  	[hbm4b:s9+s3] =	stream.linear.scatter [tilespmem:s31], [sflag:$0x5], $0x80, $0x38;
	[tilespmem:$0x10800] =	vst v63  }
0x1af: {  	s9 =	sadd.s32 $0xBF10, s0;
	s31 =	sadd.s32 $0x20, s1  }
0x1b0: {  	[hbm4b:s31+s3] =	stream.linear.scatter [tilespmem:s9], [sflag:$0x5], $0x80, $0x38;
	[tilespmem:$0x10800] =	vst v63  }
0x1b1: {  	s9 =	sadd.s32 $0xBF98, s0;
	s31 =	sadd.s32 $0x30, s1  }
0x1b2: {  	[hbm4b:s31+s3] =	stream.linear.scatter [tilespmem:s9], [sflag:$0x5], $0x80, $0x38;
	[tilespmem:$0x10800] =	vst v63  }
0x1b3: {  	s9 =	sadd.s32 $0xC020, s0;
	s31 =	sadd.s32 $0x40, s1  }
0x1b4: {  	[hbm4b:s31+s3] =	stream.linear.scatter [tilespmem:s9], [sflag:$0x5], $0x80, $0x38;
	[tilespmem:$0x10800] =	vst v63  }
0x1b5: {  	s9 =	sadd.s32 $0xC0A8, s0;
	s31 =	sadd.s32 $0x50, s1  }
0x1b6: {  	[hbm4b:s31+s3] =	stream.linear.scatter [tilespmem:s9], [sflag:$0x5], $0x80, $0x38;
	[tilespmem:$0x10800] =	vst v63  }
0x1b7: {  	s9 =	sadd.s32 $0xC130, s0;
	s31 =	sadd.s32 $0x60, s1  }
0x1b8: {  	[hbm4b:s31+s3] =	stream.linear.scatter [tilespmem:s9], [sflag:$0x5], $0x80, $0x38;
	[tilespmem:$0x10800] =	vst v63  }
0x1b9: {  	s9 =	sadd.s32 $0xC1B8, s0;
	s31 =	sadd.s32 $0x70, s1;
	s0 =	simm.s32 @!p0 $0x6  }
0x1ba: {  	[hbm4b:s31+s3] =	stream.linear.scatter [tilespmem:s9], [sflag:$0x5], $0x80, $0x38;
	[tilespmem:$0x10800] =	vst v63  }
0x1bb: {  	_ =	swait.ge @!p0 [sflag:s0], $0x2000  }
0x1bc: {  	s28 =	sadd.s32 s6, s26;
	[sflag:s0] =	ssyncset.done @!p0 $0x0  }
0x1bd: {  	s5 =	sshrl.u32 s28, $0x3;
	[sflag:s0] =	ssyncadd.s32 @!p0 $0xFFFFE000;
	s0 =	smul.u32 @p1 $0x600, s25  }
0x1be: {  	s9 =	smulhi.u32 $0xAAAAAAB, s5  }
0x1bf: {  	s0 =	sshra.s32 @p1 s0, $0x2  }
0x1c0: {  	s1 =	smul.u32 $0x18, s9;
	s0 =	sadd.s32 @p1 $0x200, s0  }
0x1c1: {  	[tilespmem:s13], [sflag:$0x2] =	stream.indirect.gather @p1 [hbm4b:s4+s11], $0x40, s0, s11, $0xb8;
	[tilespmem:$0x10800] =	vst v63  }
0x1c2: {  	_ =	swait.ge [sflag:s19], $0x2000  }
0x1c3: {  	s29 =	ssub.s32 s5, s1;
	[sflag:s19] =	ssyncset.done $0x0  }
0x1c4: {  	s0 =	sshll.u32 s29, $0x6;
	[sflag:s19] =	ssyncadd.s32 $0xFFFFE000  }
0x1c5: {  	s30 =	simm.s32 $0x7C80;
	s31 =	simm.s32 $0x0;
	v4 =	vld [tilespmem:s0+$0x10200]  }
0x1c6: {  	v5 =	vmov s31;
	v7 =	vld [tilespmem:s30+$0xFFFFFF80]  }
0x1c7: {  	v8 =	vand.u32 $0x7C, v5  }
0x1c8: {  	v9 =	vadd.s32 v0, v8;
	_ =	sdelay $0x2  }
0x1c9: {  	v5 =	vld [tilespmem:s0+$0x10210];
	v10 =	vadd.f32 v7, v4  }
0x1ca: {  	v6 =	vld [tilespmem:s0+$0x10220]  }
0x1cb: {  	v7 =	vld [tilespmem:s0+$0x10230];
	[tilespmem:v9+s20+$0x0] =	vst.idx.msk $0xffff, v10  }
0x1cc: {  	v9 =	vld [tilespmem:s30+$0xFFFFFF90];
	_ =	sdelay $0x1  }
0x1cd: {  	v10 =	vadd.s32 v1, v8;
	_ =	sdelay $0x2  }
0x1ce: {  	v9 =	vadd.f32 v9, v5;
	_ =	sdelay $0x1  }
0x1cf: {  	[tilespmem:v10+s20+$0x0] =	vst.idx.msk $0xffff, v9  }
0x1d0: {  	v9 =	vld [tilespmem:s30+$0xFFFFFFA0];
	_ =	sdelay $0x1  }
0x1d1: {  	v10 =	vadd.s32 v2, v8;
	_ =	sdelay $0x2  }
0x1d2: {  	v9 =	vadd.f32 v9, v6;
	_ =	sdelay $0x1  }
0x1d3: {  	[tilespmem:v10+s20+$0x0] =	vst.idx.msk $0xffff, v9  }
0x1d4: {  	v9 =	vld [tilespmem:s30+$0xFFFFFFB0];
	_ =	sdelay $0x1  }
0x1d5: {  	v8 =	vadd.s32 v3, v8;
	_ =	sdelay $0x2  }
0x1d6: {  	v9 =	vadd.f32 v9, v7;
	_ =	sdelay $0x1  }
0x1d7: {  	s5 =	simm.s32 $0x1;
	[tilespmem:v8+s20+$0x0] =	vst.idx.msk $0xffff, v9  }
0x1d8: {  	v8 =	vmov s5;
	v9 =	vld [tilespmem:s30+$0xFFFFFFC0]  }
0x1d9: {  	v8 =	vand.u32 $0x7D, v8  }
0x1da: {  	v10 =	vadd.s32 v0, v8;
	_ =	sdelay $0x2  }
0x1db: {  	v9 =	vadd.f32 v9, v4;
	_ =	sdelay $0x1  }
0x1dc: {  	[tilespmem:v10+s20+$0x0] =	vst.idx.msk $0xffff, v9  }
0x1dd: {  	v9 =	vld [tilespmem:s30+$0xFFFFFFD0];
	_ =	sdelay $0x1  }
0x1de: {  	v10 =	vadd.s32 v1, v8;
	_ =	sdelay $0x2  }
0x1df: {  	v9 =	vadd.f32 v9, v5;
	_ =	sdelay $0x1  }
0x1e0: {  	[tilespmem:v10+s20+$0x0] =	vst.idx.msk $0xffff, v9  }
0x1e1: {  	v9 =	vld [tilespmem:s30+$0xFFFFFFE0];
	_ =	sdelay $0x1  }
0x1e2: {  	v10 =	vadd.s32 v2, v8;
	_ =	sdelay $0x2  }
0x1e3: {  	v9 =	vadd.f32 v9, v6;
	_ =	sdelay $0x1  }
0x1e4: {  	[tilespmem:v10+s20+$0x0] =	vst.idx.msk $0xffff, v9  }
0x1e5: {  	v9 =	vld [tilespmem:s30+$0xFFFFFFF0];
	_ =	sdelay $0x1  }
0x1e6: {  	v8 =	vadd.s32 v3, v8;
	_ =	sdelay $0x2  }
0x1e7: {  	v9 =	vadd.f32 v9, v7;
	_ =	sdelay $0x1  }
0x1e8: {  	s9 =	simm.s32 $0x2;
	[tilespmem:v8+s20+$0x0] =	vst.idx.msk $0xffff, v9  }
0x1e9: {  	v8 =	vmov s9;
	v9 =	vld [tilespmem:s30+$0x0]  }
0x1ea: {  	v8 =	vand.u32 $0x7E, v8  }
0x1eb: {  	v10 =	vadd.s32 v0, v8;
	_ =	sdelay $0x2  }
0x1ec: {  	v9 =	vadd.f32 v9, v4;
	_ =	sdelay $0x1  }
0x1ed: {  	[tilespmem:v10+s20+$0x0] =	vst.idx.msk $0xffff, v9  }
0x1ee: {  	v9 =	vld [tilespmem:s30+$0x10];
	_ =	sdelay $0x1  }
0x1ef: {  	v10 =	vadd.s32 v1, v8;
	_ =	sdelay $0x2  }
0x1f0: {  	v9 =	vadd.f32 v9, v5;
	_ =	sdelay $0x1  }
0x1f1: {  	[tilespmem:v10+s20+$0x0] =	vst.idx.msk $0xffff, v9  }
0x1f2: {  	v9 =	vld [tilespmem:s30+$0x20];
	_ =	sdelay $0x1  }
0x1f3: {  	v10 =	vadd.s32 v2, v8;
	_ =	sdelay $0x2  }
0x1f4: {  	v9 =	vadd.f32 v9, v6;
	_ =	sdelay $0x1  }
0x1f5: {  	[tilespmem:v10+s20+$0x0] =	vst.idx.msk $0xffff, v9  }
0x1f6: {  	v9 =	vld [tilespmem:s30+$0x30];
	_ =	sdelay $0x1  }
0x1f7: {  	v8 =	vadd.s32 v3, v8;
	_ =	sdelay $0x2  }
0x1f8: {  	v9 =	vadd.f32 v9, v7;
	_ =	sdelay $0x1  }
0x1f9: {  	s31 =	simm.s32 $0x3;
	[tilespmem:v8+s20+$0x0] =	vst.idx.msk $0xffff, v9  }
0x1fa: {  	v8 =	vmov s31;
	v9 =	vld [tilespmem:s30+$0x40]  }
0x1fb: {  	v8 =	vand.u32 $0x7F, v8  }
0x1fc: {  	v10 =	vadd.s32 v0, v8;
	_ =	sdelay $0x2  }
0x1fd: {  	v9 =	vadd.f32 v9, v4;
	_ =	sdelay $0x1  }
0x1fe: {  	[tilespmem:v10+s20+$0x0] =	vst.idx.msk $0xffff, v9  }
0x1ff: {  	v9 =	vld [tilespmem:s30+$0x50];
	_ =	sdelay $0x1  }
0x200: {  	v10 =	vadd.s32 v1, v8;
	_ =	sdelay $0x2  }
0x201: {  	v9 =	vadd.f32 v9, v5;
	_ =	sdelay $0x1  }
0x202: {  	[tilespmem:v10+s20+$0x0] =	vst.idx.msk $0xffff, v9  }
0x203: {  	v9 =	vld [tilespmem:s30+$0x60];
	_ =	sdelay $0x1  }
0x204: {  	v10 =	vadd.s32 v2, v8;
	_ =	sdelay $0x2  }
0x205: {  	v9 =	vadd.f32 v9, v6;
	_ =	sdelay $0x1  }
0x206: {  	[tilespmem:v10+s20+$0x0] =	vst.idx.msk $0xffff, v9  }
0x207: {  	v9 =	vld [tilespmem:s30+$0x70];
	_ =	sdelay $0x1  }
0x208: {  	v8 =	vadd.s32 v3, v8;
	_ =	sdelay $0x2  }
0x209: {  	s1 =	simm.s32 $0x4;
	v9 =	vadd.f32 v9, v7  }
.LBB2_11:
0x20a: {  	p0 =	slt.u32 s1, $0x7C  }
0x20b: {  	s30 =	sadd.s32 $0x100, s30;
	s0 =	smov.u32 s1;
	s1 =	sadd.s32 $0x4, s1;
	[tilespmem:v8+s20+$0x0] =	vst.idx.msk $0xffff, v9  }
0x20c: {  	v8 =	vmov s0;
	v9 =	vld [tilespmem:s30+$0xFFFFFF80]  }
0x20d: {  	v8 =	vand.u32 $0x7C, v8  }
0x20e: {  	v10 =	vadd.s32 v0, v8;
	_ =	sdelay $0x2  }
0x20f: {  	v9 =	vadd.f32 v9, v4;
	_ =	sdelay $0x1  }
0x210: {  	[tilespmem:v10+s20+$0x0] =	vst.idx.msk $0xffff, v9  }
0x211: {  	v9 =	vld [tilespmem:s30+$0xFFFFFF90];
	_ =	sdelay $0x1  }
0x212: {  	v10 =	vadd.s32 v1, v8;
	_ =	sdelay $0x2  }
0x213: {  	v9 =	vadd.f32 v9, v5;
	_ =	sdelay $0x1  }
0x214: {  	[tilespmem:v10+s20+$0x0] =	vst.idx.msk $0xffff, v9  }
0x215: {  	v9 =	vld [tilespmem:s30+$0xFFFFFFA0];
	_ =	sdelay $0x1  }
0x216: {  	v10 =	vadd.s32 v2, v8;
	_ =	sdelay $0x2  }
0x217: {  	v9 =	vadd.f32 v9, v6;
	_ =	sdelay $0x1  }
0x218: {  	[tilespmem:v10+s20+$0x0] =	vst.idx.msk $0xffff, v9  }
0x219: {  	v9 =	vld [tilespmem:s30+$0xFFFFFFB0];
	_ =	sdelay $0x1  }
0x21a: {  	v8 =	vadd.s32 v3, v8;
	_ =	sdelay $0x2  }
0x21b: {  	v9 =	vadd.f32 v9, v7;
	_ =	sdelay $0x1  }
0x21c: {  	s5 =	sadd.s32 $0x1, s0;
	[tilespmem:v8+s20+$0x0] =	vst.idx.msk $0xffff, v9  }
0x21d: {  	v8 =	vmov s5;
	v9 =	vld [tilespmem:s30+$0xFFFFFFC0]  }
0x21e: {  	v8 =	vand.u32 $0x7D, v8  }
0x21f: {  	v10 =	vadd.s32 v0, v8;
	_ =	sdelay $0x2  }
0x220: {  	v9 =	vadd.f32 v9, v4;
	_ =	sdelay $0x1  }
0x221: {  	[tilespmem:v10+s20+$0x0] =	vst.idx.msk $0xffff, v9  }
0x222: {  	v9 =	vld [tilespmem:s30+$0xFFFFFFD0];
	_ =	sdelay $0x1  }
0x223: {  	v10 =	vadd.s32 v1, v8;
	_ =	sdelay $0x2  }
0x224: {  	v9 =	vadd.f32 v9, v5;
	_ =	sdelay $0x1  }
0x225: {  	[tilespmem:v10+s20+$0x0] =	vst.idx.msk $0xffff, v9  }
0x226: {  	v9 =	vld [tilespmem:s30+$0xFFFFFFE0];
	_ =	sdelay $0x1  }
0x227: {  	v10 =	vadd.s32 v2, v8;
	_ =	sdelay $0x2  }
0x228: {  	v9 =	vadd.f32 v9, v6;
	_ =	sdelay $0x1  }
0x229: {  	[tilespmem:v10+s20+$0x0] =	vst.idx.msk $0xffff, v9  }
0x22a: {  	v9 =	vld [tilespmem:s30+$0xFFFFFFF0];
	_ =	sdelay $0x1  }
0x22b: {  	v8 =	vadd.s32 v3, v8;
	_ =	sdelay $0x2  }
0x22c: {  	v9 =	vadd.f32 v9, v7;
	_ =	sdelay $0x1  }
0x22d: {  	s5 =	sadd.s32 $0x2, s0;
	[tilespmem:v8+s20+$0x0] =	vst.idx.msk $0xffff, v9  }
0x22e: {  	v8 =	vmov s5;
	v9 =	vld [tilespmem:s30+$0x0]  }
0x22f: {  	v8 =	vand.u32 $0x7E, v8  }
0x230: {  	v10 =	vadd.s32 v0, v8;
	_ =	sdelay $0x2  }
0x231: {  	v9 =	vadd.f32 v9, v4;
	_ =	sdelay $0x1  }
0x232: {  	[tilespmem:v10+s20+$0x0] =	vst.idx.msk $0xffff, v9  }
0x233: {  	v9 =	vld [tilespmem:s30+$0x10];
	_ =	sdelay $0x1  }
0x234: {  	v10 =	vadd.s32 v1, v8;
	_ =	sdelay $0x2  }
0x235: {  	v9 =	vadd.f32 v9, v5;
	_ =	sdelay $0x1  }
0x236: {  	[tilespmem:v10+s20+$0x0] =	vst.idx.msk $0xffff, v9  }
0x237: {  	v9 =	vld [tilespmem:s30+$0x20];
	_ =	sdelay $0x1  }
0x238: {  	v10 =	vadd.s32 v2, v8;
	_ =	sdelay $0x2  }
0x239: {  	v9 =	vadd.f32 v9, v6;
	_ =	sdelay $0x1  }
0x23a: {  	[tilespmem:v10+s20+$0x0] =	vst.idx.msk $0xffff, v9  }
0x23b: {  	v9 =	vld [tilespmem:s30+$0x30];
	_ =	sdelay $0x1  }
0x23c: {  	v8 =	vadd.s32 v3, v8;
	_ =	sdelay $0x2  }
0x23d: {  	v9 =	vadd.f32 v9, v7;
	_ =	sdelay $0x1  }
0x23e: {  	s0 =	sadd.s32 $0x3, s0;
	[tilespmem:v8+s20+$0x0] =	vst.idx.msk $0xffff, v9  }
0x23f: {  	v8 =	vmov s0;
	v9 =	vld [tilespmem:s30+$0x40]  }
0x240: {  	v8 =	vand.u32 $0x7F, v8  }
0x241: {  	v10 =	vadd.s32 v0, v8;
	_ =	sdelay $0x2  }
0x242: {  	v9 =	vadd.f32 v9, v4;
	_ =	sdelay $0x1  }
0x243: {  	[tilespmem:v10+s20+$0x0] =	vst.idx.msk $0xffff, v9  }
0x244: {  	v9 =	vld [tilespmem:s30+$0x50];
	_ =	sdelay $0x1  }
0x245: {  	v10 =	vadd.s32 v1, v8;
	_ =	sdelay $0x2  }
0x246: {  	v9 =	vadd.f32 v9, v5;
	_ =	sdelay $0x1  }
0x247: {  	[tilespmem:v10+s20+$0x0] =	vst.idx.msk $0xffff, v9  }
0x248: {  	v9 =	vld [tilespmem:s30+$0x60];
	_ =	sdelay $0x1  }
0x249: {  	v10 =	vadd.s32 v2, v8;
	_ =	sdelay $0x2  }
0x24a: {  	v9 =	vadd.f32 v9, v6;
	_ =	sdelay $0x1  }
0x24b: {  	[tilespmem:v10+s20+$0x0] =	vst.idx.msk $0xffff, v9  }
0x24c: {  	v9 =	vld [tilespmem:s30+$0x70]  }
.Ltmp4:
0x24d: {  	(pc) =	sbr.rel @p0 .LBB2_11-.Ltmp4, $2  }
0x24e: {  	v8 =	vadd.s32 v3, v8;
	_ =	sdelay $0x2  }
0x24f: {  	v9 =	vadd.f32 v9, v7  }
0x250: {  	s0 =	smulhi.u32 $0xAAAAAAAB, s28;
	_ =	sdelay $0x1  }
0x251: {  	s0 =	sshrl.u32 s0, $0x7  }
0x252: {  	s0 =	smul.u32 $0x180000, s0  }
0x253: {  	s1 =	sshll.u32 s29, $0x10;
	s5 =	sshll.u32 s26, $0xA  }
0x254: {  	s31 =	sand.u32 $0x1C00, s5;
	s0 =	sadd.s32 s0, s1  }
0x255: {  	s0 =	sor.u32 s31, s0  }
0x256: {  	s0 =	sshrl.u32 s0, $0x3  }
0x257: {  	[tilespmem:v8+s20+$0x0] =	vst.idx.msk $0xffff, v9;
	s5 =	simm.s32 $0xE000;
	s1 =	sadd.s32 s2, s0  }
0x258: {  	[hbm4b:s1+s3] =	stream.linear.scatter [tilespmem:s5], [sflag:$0x6], $0x80, $0x38;
	[tilespmem:$0x10800] =	vst v63  }
0x259: {  	s9 =	simm.s32 $0xE088;
	s26 =	sadd.s32 $0x10, s1  }
0x25a: {  	[hbm4b:s26+s3] =	stream.linear.scatter [tilespmem:s9], [sflag:$0x6], $0x80, $0x38;
	[tilespmem:$0x10800] =	vst v63  }
0x25b: {  	s30 =	simm.s32 $0xE110;
	s28 =	simm.s32 $0xE3B8;
	s31 =	sadd.s32 $0x20, s1  }
0x25c: {  	[hbm4b:s31+s3] =	stream.linear.scatter [tilespmem:s30], [sflag:$0x6], $0x80, $0x38;
	[tilespmem:$0x10800] =	vst v63  }
0x25d: {  	s0 =	simm.s32 $0x440;
	s9 =	simm.s32 $0xE198;
	s26 =	sadd.s32 $0x30, s1  }
0x25e: {  	[hbm4b:s26+s3] =	stream.linear.scatter [tilespmem:s9], [sflag:$0x6], $0x80, $0x38;
	[tilespmem:$0x10800] =	vst v63  }
0x25f: {  	s29 =	sadd.s32 $0x70, s1;
	s30 =	simm.s32 $0xE220;
	s31 =	sadd.s32 $0x40, s1  }
0x260: {  	[hbm4b:s31+s3] =	stream.linear.scatter [tilespmem:s30], [sflag:$0x6], $0x80, $0x38;
	[tilespmem:$0x10800] =	vst v63  }
0x261: {  	s9 =	simm.s32 $0xE2A8;
	s26 =	sadd.s32 $0x50, s1;
	s30 =	simm.s32 $0xE330  }
0x262: {  	[hbm4b:s26+s3] =	stream.linear.scatter [tilespmem:s9], [sflag:$0x6], $0x80, $0x38;
	[tilespmem:$0x10800] =	vst v63  }
0x263: {  	s31 =	sadd.s32 $0x60, s1;
	s1 =	sadd.s32 $0x400, s1;
	s26 =	simm.s32 $0x2200  }
0x264: {  	[hbm4b:s31+s3] =	stream.linear.scatter [tilespmem:s30], [sflag:$0x6], $0x80, $0x38;
	[tilespmem:$0x10800] =	vst v63  }
.LBB2_13:
0x265: {  	[hbm4b:s29+s3] =	stream.linear.scatter [tilespmem:s28], [sflag:$0x6], $0x80, $0x38;
	[tilespmem:$0x10800] =	vst v63  }
0x266: {  	s5 =	smov.u32 s0;
	s0 =	smov.u32 s26  }
0x267: {  	s9 =	sadd.s32 $0x1100, s26;
	s0 =	sshra.s32 s0, $0x2;
	s28 =	sadd.s32 $0xE000, s5  }
0x268: {  	[hbm4b:s1+s3] =	stream.linear.scatter [tilespmem:s28], [sflag:$0x6], $0x80, $0x38;
	[tilespmem:$0x10800] =	vst v63  }
0x269: {  	p0 =	sne.s32 s26, $0x7700;
	s26 =	sadd.s32 $0xE088, s5;
	s28 =	sadd.s32 $0x10, s1  }
0x26a: {  	[hbm4b:s28+s3] =	stream.linear.scatter [tilespmem:s26], [sflag:$0x6], $0x80, $0x38;
	[tilespmem:$0x10800] =	vst v63  }
0x26b: {  	s26 =	sadd.s32 $0xE110, s5;
	s28 =	sadd.s32 $0x20, s1  }
0x26c: {  	[hbm4b:s28+s3] =	stream.linear.scatter [tilespmem:s26], [sflag:$0x6], $0x80, $0x38;
	[tilespmem:$0x10800] =	vst v63  }
0x26d: {  	s26 =	sadd.s32 $0xE198, s5;
	s28 =	sadd.s32 $0x30, s1  }
0x26e: {  	[hbm4b:s28+s3] =	stream.linear.scatter [tilespmem:s26], [sflag:$0x6], $0x80, $0x38;
	[tilespmem:$0x10800] =	vst v63  }
0x26f: {  	s26 =	sadd.s32 $0xE220, s5;
	s28 =	sadd.s32 $0x40, s1  }
0x270: {  	[hbm4b:s28+s3] =	stream.linear.scatter [tilespmem:s26], [sflag:$0x6], $0x80, $0x38;
	[tilespmem:$0x10800] =	vst v63  }
.Ltmp5:
0x271: {  	s26 =	sadd.s32 $0xE2A8, s5;
	s28 =	sadd.s32 $0x50, s1;
	(pc) =	sbr.rel @p0 .LBB2_13-.Ltmp5, $4  }
0x272: {  	[hbm4b:s28+s3] =	stream.linear.scatter [tilespmem:s26], [sflag:$0x6], $0x80, $0x38;
	[tilespmem:$0x10800] =	vst v63  }
0x273: {  	s29 =	sadd.s32 $0x70, s1;
	s26 =	sadd.s32 $0xE330, s5;
	s28 =	sadd.s32 $0x60, s1  }
0x274: {  	[hbm4b:s28+s3] =	stream.linear.scatter [tilespmem:s26], [sflag:$0x6], $0x80, $0x38;
	[tilespmem:$0x10800] =	vst v63  }
0x275: {  	s1 =	sadd.s32 $0x400, s1;
	s28 =	sadd.s32 $0xE3B8, s5;
	s26 =	smov.u32 s9  }
0x276: {  	[hbm4b:s29+s3] =	stream.linear.scatter [tilespmem:s28], [sflag:$0x6], $0x80, $0x38;
	[tilespmem:$0x10800] =	vst v63  }
0x277: {  	s5 =	sadd.s32 $0xE000, s0  }
0x278: {  	[hbm4b:s1+s3] =	stream.linear.scatter [tilespmem:s5], [sflag:$0x6], $0x80, $0x38;
	[tilespmem:$0x10800] =	vst v63  }
0x279: {  	s31 =	sadd.s32 $0xE088, s0;
	s9 =	sadd.s32 $0x10, s1  }
0x27a: {  	[hbm4b:s9+s3] =	stream.linear.scatter [tilespmem:s31], [sflag:$0x6], $0x80, $0x38;
	[tilespmem:$0x10800] =	vst v63  }
0x27b: {  	s26 =	sadd.s32 $0x20, s1;
	s9 =	sadd.s32 $0xE110, s0  }
0x27c: {  	[hbm4b:s26+s3] =	stream.linear.scatter [tilespmem:s9], [sflag:$0x6], $0x80, $0x38;
	[tilespmem:$0x10800] =	vst v63  }
0x27d: {  	s28 =	sadd.s32 $0xE198, s0;
	s29 =	sadd.s32 $0x30, s1  }
0x27e: {  	[hbm4b:s29+s3] =	stream.linear.scatter [tilespmem:s28], [sflag:$0x6], $0x80, $0x38;
	[tilespmem:$0x10800] =	vst v63  }
0x27f: {  	s30 =	sadd.s32 $0xE220, s0;
	s25 =	sadd.s32 $0x1, s25;
	s31 =	sadd.s32 $0x40, s1  }
0x280: {  	[hbm4b:s31+s3] =	stream.linear.scatter [tilespmem:s30], [sflag:$0x6], $0x80, $0x38;
	[tilespmem:$0x10800] =	vst v63  }
0x281: {  	p0 =	sne.s32 s25, $0x28;
	s9 =	sadd.s32 $0xE2A8, s0;
	s26 =	sadd.s32 $0x50, s1  }
0x282: {  	[hbm4b:s26+s3] =	stream.linear.scatter [tilespmem:s9], [sflag:$0x6], $0x80, $0x38;
	[tilespmem:$0x10800] =	vst v63  }
.Ltmp6:
0x283: {  	_ = 	snop;
	(pc) =	sbr.rel @p0 .LBB2_2-.Ltmp6, $4  }
0x284: {  	s28 =	sadd.s32 $0xE330, s0;
	s29 =	sadd.s32 $0x60, s1  }
0x285: {  	[hbm4b:s29+s3] =	stream.linear.scatter [tilespmem:s28], [sflag:$0x6], $0x80, $0x38;
	[tilespmem:$0x10800] =	vst v63  }
0x286: {  	s30 =	sadd.s32 $0xE3B8, s0;
	s31 =	sadd.s32 $0x70, s1  }
0x287: {  	[hbm4b:s31+s3] =	stream.linear.scatter [tilespmem:s30], [sflag:$0x6], $0x80, $0x38;
	[tilespmem:$0x10800] =	vst v63  }
0x288: {  	_ =	swait.ge [sflag:s21], $0x2000  }
0x289: {  	[sflag:s21] =	ssyncset.done $0x0  }
0x28a: {  	s24 =	sadd.s32 $0x1, s24;
	[sflag:s21] =	ssyncadd.s32 $0xFFFFE000  }
0x28b: {  	p0 =	sne.s32 s24, s8;
	_ =	swait.ge [sflag:s22], $0x2000  }
.Ltmp7:
0x28c: {  	[sflag:s22] =	ssyncset.done $0x0;
	(pc) =	sbr.rel @p0 .LBB2_1-.Ltmp7, $4  }
0x28d: {  	[sflag:s22] =	ssyncadd.s32 $0xFFFFE000  }
0x28e: {  	_ =	swait.ge [sflag:s23], $0x2000  }
0x28f: {  	[sflag:s23] =	ssyncset.done $0x0  }
0x290: {  	[sflag:s23] =	ssyncadd.s32 $0xFFFFE000  }
0x291: {  	_ =	sfence.sel $0x180000  }
0x292: {  	[bflag:$0x0] =	sbarrier.arrive $0xFFFF  }
0x293: {  	_ =	strace $0x90000047  }
0x294: {  	s0 =	stileid.u32;
	[bflag:$0x2] =	sbarrier.arrive $0xFFFF  }
0x295: {  	p0 =	sne.s32 s0, $0x0;
	s0 =	rddreg [dreg:$0x2]  }
0x296: {  	s0 =	sadd.s32 @!p0 $0x100000, s0  }
0x297: {  	[sflag:s0] =	ssyncadd.tile.s32 @!p0 $0x1;
	_ =	shalt  }
.Lfunc_end2:
_tile_overlayer_lowered:
.L_overlay_start_2:
0x298: {  	(tag) =	ssettag $0x2  }
0x299: {  	s0 =	rddreg [dreg:$0x0];
	s2 =	stileid.u32  }
0x29a: {  	s1 =	rddreg [dreg:$0x1];
	p0 =	sne.s32 s2, $0x0  }
0x29b: {  	s3 =	rddreg [dreg:$0x2];
	[bflag:$0x3] =	sbarrier.arrive $0xFFFF;
	s2 =	simm.s32 @!p0 $0x1C07  }
0x29c: {  	[timem:s3], [sflag:s2] =	dma.local @!p0 [hbm:s0], s1  }
0x29d: {  	s0 =	simm.s32 @!p0 $0x7  }
0x29e: {  	_ =	swait.ge @!p0 [sflag:s0], s1  }
0x29f: {  	s1 =	ssub.s32 @!p0 $0x0, s1;
	[sflag:s0] =	ssyncset.done @!p0 $0x0  }
0x2a0: {  	[sflag:s0] =	ssyncadd.s32 @!p0 s1  }
0x2a1: {  	[bflag:$0x3] =	sbarrier.arrive $0xFFFF  }
0x2a2: {  	_ =	shalt  }

</sc_bundles>
